<compile_context>
chip_gen: v7x
topology: tpu7x:2x2x1
jax: 0.10.2.dev20260603
libtpu: 0.0.44.dev20260713+nightly
codegen_flags: <defaults>
</compile_context>

<pallas_src>
import jax
import jax.numpy as jnp
from jax import lax
from jax.experimental import pallas as pl
from jax.experimental.pallas import tpu as pltpu
from jax.experimental.pallas import tpu_sc as plsc

_B = 16384
_D = 64
_V = 100000
_NC = 2
_NS = 16
_NW = _NC * _NS
_ROUNDS = _D // _NW
_LANES = 16
_FCH = 4096
_NFCH = _B // _FCH


def _cl_body(feat_hbm, lab_hbm, cent_hbm, out_hbm, row_v, feat_a, feat_b,
             lab_v, acc_v, sem_r, sem_fa, sem_fb, sem_l):
    c = lax.axis_index("c")
    s = lax.axis_index("s")
    wid = s * _NC + c

    feats = (feat_a, feat_b)
    feat_sems = (sem_fa, sem_fb)

    def comp(r):
        return r * _NW + wid

    def feat_start(q):
        r, fc = divmod(q, _NFCH)
        return pltpu.async_copy(
            feat_hbm.at[comp(r), pl.ds(fc * _FCH, _FCH)],
            feats[q % 2], feat_sems[q % 2])

    def row_start(r):
        return pltpu.async_copy(cent_hbm.at[comp(r)], row_v, sem_r)

    lab_cp = pltpu.async_copy(lab_hbm, lab_v, sem_l)
    row_cp = row_start(0)
    feat_cp = feat_start(0)
    lab_cp.wait()

    zero = jnp.zeros((_LANES,), jnp.float32)
    accs = (zero, zero, zero, zero)
    for r in range(_ROUNDS):
        row_cp.wait()
        for fc in range(_NFCH):
            q = r * _NFCH + fc
            next_feat_cp = feat_start(q + 1) \
                if q + 1 < _ROUNDS * _NFCH else None
            feat_cp.wait()
            feat_v = feats[q % 2]

            def group_step(j, accs, fc=fc, feat_v=feat_v):
                out = []
                for k in range(4):
                    off = fc * _FCH + (j * 4 + k) * _LANES
                    idx = lab_v[pl.ds(off, _LANES)]
                    g = plsc.load_gather(row_v, [idx])
                    f = feat_v[pl.ds((j * 4 + k) * _LANES, _LANES)]
                    d = f - g
                    out.append(accs[k] + d * d)
                return tuple(out)

            accs = plsc.parallel_loop(
                0, _FCH // (4 * _LANES), carry=accs, unroll=1)(group_step)
            feat_cp = next_feat_cp
        if r + 1 < _ROUNDS:
            row_cp = row_start(r + 1)

    acc = (accs[0] + accs[1]) + (accs[2] + accs[3])
    acc_v[...] = acc * (1.0 / _B)
    pltpu.sync_copy(acc_v, out_hbm.at[wid])


@jax.jit
def kernel(features, labels, centers):
    labels_i = labels.astype(jnp.int32)
    feat_t = features.T
    cent_t = centers.T
    mesh = plsc.VectorSubcoreMesh(core_axis_name="c", subcore_axis_name="s")
    partials = pl.kernel(
        _cl_body,
        out_type=jax.ShapeDtypeStruct((_NW, _LANES), jnp.float32),
        mesh=mesh,
        scratch_types=[
            pltpu.VMEM((_V,), jnp.float32),
            pltpu.VMEM((_FCH,), jnp.float32),
            pltpu.VMEM((_FCH,), jnp.float32),
            pltpu.VMEM((_B,), jnp.int32),
            pltpu.VMEM((_LANES,), jnp.float32),
            pltpu.SemaphoreType.DMA,
            pltpu.SemaphoreType.DMA,
            pltpu.SemaphoreType.DMA,
            pltpu.SemaphoreType.DMA,
        ],
        compiler_params=pltpu.CompilerParams(use_tc_tiling_on_sc=True,
                                             needs_layout_passes=False),
    )(feat_t, labels_i, cent_t)
    return jnp.sum(partials)

# --- scband reference (transcript-rebuilt; emitter-appended) ---
"""Pipeline reference for scband-center-loss-23330262352630 (READ-ONLY COPY).

The authoritative reference and input builder live on the scoring server;
editing this copy changes nothing except your own understanding.
"""

import jax, jax.numpy as jnp
import numpy as np

NUM_CLASSES = 100000
FEAT_DIM = 64
BATCH = 16384


def setup_inputs(seed: int = 0) -> dict:
    key = jax.random.key(seed)
    k1, k2, k3 = jax.random.split(key, 3)
    features = jax.random.normal(k1, (BATCH, FEAT_DIM), dtype=jnp.float32)
    labels = jax.random.randint(k2, (BATCH,), 0, NUM_CLASSES, dtype=jnp.int64)
    centers = jax.random.normal(k3, (NUM_CLASSES, FEAT_DIM), dtype=jnp.float32)
    return {"features": features, "labels": labels, "centers": centers}


def reference(features, labels, centers):
    batch_size = features.shape[0]
    centers_batch = jnp.take(centers, labels, axis=0)
    loss = jnp.sum((features - centers_batch) ** 2) / batch_size
    return loss

if __name__ == "__main__":
    import jax
    _d = setup_inputs()
    print(jax.jit(kernel)(*tuple(_d.values())))

</pallas_src>

<mosaic_0001>
#map = affine_map<(d0, d1) -> (0, 0)>
#map1 = affine_map<(d0, d1) -> (0)>
module attributes {stable_mosaic.version = 14 : i64} {
  func.func @_cl_body(%arg0: i32, %arg1: i32, %arg2: memref<64x16384xf32, #tpu.memory_space<hbm>>, %arg3: memref<16384xi32, #tpu.memory_space<hbm>>, %arg4: memref<64x100000xf32, #tpu.memory_space<hbm>>, %arg5: memref<32x16xf32, #tpu.memory_space<hbm>>, %arg6: memref<100000xf32, #tpu.memory_space<vmem>>, %arg7: memref<4096xf32, #tpu.memory_space<vmem>>, %arg8: memref<4096xf32, #tpu.memory_space<vmem>>, %arg9: memref<16384xi32, #tpu.memory_space<vmem>>, %arg10: memref<16xf32, #tpu.memory_space<vmem>>, %arg11: memref<!tpu.dma_semaphore, #tpu.memory_space<semaphore_mem>>, %arg12: memref<!tpu.dma_semaphore, #tpu.memory_space<semaphore_mem>>, %arg13: memref<!tpu.dma_semaphore, #tpu.memory_space<semaphore_mem>>, %arg14: memref<!tpu.dma_semaphore, #tpu.memory_space<semaphore_mem>>) attributes {dimension_semantics = [#tpu.dimension_semantics<core_parallel>, #tpu.dimension_semantics<subcore_parallel>], iteration_bounds = array<i64: 2, 16>, scalar_prefetch = 0 : i64, scratch_operands = 9 : i64, tpu.core_type = #tpu.core_type<sc_vector_subcore>, window_params = [{transform_indices = #map}, {transform_indices = #map1}, {transform_indices = #map}, {transform_indices = #map}]} {
    %mul3A = arith.constant 2 : i32
    %mul3A_0 = arith.muli %arg1, %mul3A : i32
    %add3A = arith.addi %mul3A_0, %arg0 : i32
    tpu.enqueue_dma source(%arg3 : memref<16384xi32, #tpu.memory_space<hbm>>) target(%arg9 : memref<16384xi32, #tpu.memory_space<vmem>>) target_semaphore(%arg14 : memref<!tpu.dma_semaphore, #tpu.memory_space<semaphore_mem>>)
    %add3A_1 = arith.constant 0 : i32
    %add3A_2 = arith.addi %add3A_1, %add3A : i32
    %dma_start3A = arith.constant 0 : i32
    %dma_start3A_3 = tpu.memref_slice %arg4[%add3A_2, %dma_start3A] : memref<64x100000xf32, #tpu.memory_space<hbm>> -> memref<1x100000xf32, #tpu.memory_space<hbm>>
    %dma_start3A_4 = tpu.memref_squeeze %dma_start3A_3 : memref<1x100000xf32, #tpu.memory_space<hbm>> -> memref<100000xf32, #tpu.memory_space<hbm>>
    %dma_start3A_5 = arith.constant 0 : i32
    %dma_start3A_6 = tpu.memref_slice %arg4[%add3A_2, %dma_start3A_5] : memref<64x100000xf32, #tpu.memory_space<hbm>> -> memref<1x100000xf32, #tpu.memory_space<hbm>>
    %dma_start3A_7 = tpu.memref_squeeze %dma_start3A_6 : memref<1x100000xf32, #tpu.memory_space<hbm>> -> memref<100000xf32, #tpu.memory_space<hbm>>
    tpu.enqueue_dma source(%dma_start3A_7 : memref<100000xf32, #tpu.memory_space<hbm>>) target(%arg6 : memref<100000xf32, #tpu.memory_space<vmem>>) target_semaphore(%arg11 : memref<!tpu.dma_semaphore, #tpu.memory_space<semaphore_mem>>)
    %add3A_8 = arith.constant 0 : i32
    %add3A_9 = arith.addi %add3A_8, %add3A : i32
    %dma_start3A_10 = arith.constant 0 : i32
    %dma_start3A_11 = tpu.memref_slice %arg2[%add3A_9, %dma_start3A_10] : memref<64x16384xf32, #tpu.memory_space<hbm>> -> memref<1x4096xf32, #tpu.memory_space<hbm>>
    %dma_start3A_12 = tpu.memref_squeeze %dma_start3A_11 : memref<1x4096xf32, #tpu.memory_space<hbm>> -> memref<4096xf32, #tpu.memory_space<hbm>>
    %dma_start3A_13 = arith.constant 0 : i32
    %dma_start3A_14 = tpu.memref_slice %arg2[%add3A_9, %dma_start3A_13] : memref<64x16384xf32, #tpu.memory_space<hbm>> -> memref<1x4096xf32, #tpu.memory_space<hbm>>
    %dma_start3A_15 = tpu.memref_squeeze %dma_start3A_14 : memref<1x4096xf32, #tpu.memory_space<hbm>> -> memref<4096xf32, #tpu.memory_space<hbm>>
    tpu.enqueue_dma source(%dma_start3A_15 : memref<4096xf32, #tpu.memory_space<hbm>>) target(%arg7 : memref<4096xf32, #tpu.memory_space<vmem>>) target_semaphore(%arg12 : memref<!tpu.dma_semaphore, #tpu.memory_space<semaphore_mem>>)
    tpu.wait_dma2 semaphore(%arg14 : memref<!tpu.dma_semaphore, #tpu.memory_space<semaphore_mem>>) src(%arg3 : memref<16384xi32, #tpu.memory_space<hbm>>) dst(%arg9 : memref<16384xi32, #tpu.memory_space<vmem>>)
    %broadcast_in_dim3A = arith.constant 0.000000e+00 : f32
    %broadcast_in_dim3A_16 = vector.broadcast %broadcast_in_dim3A : f32 to vector<16xf32>
    %dma_wait3A = arith.constant 0 : i32
    %dma_wait3A_17 = tpu.memref_slice %arg4[%add3A_2, %dma_wait3A] : memref<64x100000xf32, #tpu.memory_space<hbm>> -> memref<1x100000xf32, #tpu.memory_space<hbm>>
    %dma_wait3A_18 = tpu.memref_squeeze %dma_wait3A_17 : memref<1x100000xf32, #tpu.memory_space<hbm>> -> memref<100000xf32, #tpu.memory_space<hbm>>
    %dma_wait3A_19 = arith.constant 0 : i32
    %dma_wait3A_20 = tpu.memref_slice %arg4[%add3A_2, %dma_wait3A_19] : memref<64x100000xf32, #tpu.memory_space<hbm>> -> memref<1x100000xf32, #tpu.memory_space<hbm>>
    %dma_wait3A_21 = tpu.memref_squeeze %dma_wait3A_20 : memref<1x100000xf32, #tpu.memory_space<hbm>> -> memref<100000xf32, #tpu.memory_space<hbm>>
    tpu.wait_dma2 semaphore(%arg11 : memref<!tpu.dma_semaphore, #tpu.memory_space<semaphore_mem>>) src(%dma_wait3A_21 : memref<100000xf32, #tpu.memory_space<hbm>>) dst(%arg6 : memref<100000xf32, #tpu.memory_space<vmem>>)
    %add3A_22 = arith.constant 0 : i32
    %add3A_23 = arith.addi %add3A_22, %add3A : i32
    %dma_start3A_24 = arith.constant 4096 : i32
    %dma_start3A_25 = tpu.memref_slice %arg2[%add3A_23, %dma_start3A_24] : memref<64x16384xf32, #tpu.memory_space<hbm>> -> memref<1x4096xf32, #tpu.memory_space<hbm>>
    %dma_start3A_26 = tpu.memref_squeeze %dma_start3A_25 : memref<1x4096xf32, #tpu.memory_space<hbm>> -> memref<4096xf32, #tpu.memory_space<hbm>>
    %dma_start3A_27 = arith.constant 4096 : i32
    %dma_start3A_28 = tpu.memref_slice %arg2[%add3A_23, %dma_start3A_27] : memref<64x16384xf32, #tpu.memory_space<hbm>> -> memref<1x4096xf32, #tpu.memory_space<hbm>>
    %dma_start3A_29 = tpu.memref_squeeze %dma_start3A_28 : memref<1x4096xf32, #tpu.memory_space<hbm>> -> memref<4096xf32, #tpu.memory_space<hbm>>
    tpu.enqueue_dma source(%dma_start3A_29 : memref<4096xf32, #tpu.memory_space<hbm>>) target(%arg8 : memref<4096xf32, #tpu.memory_space<vmem>>) target_semaphore(%arg13 : memref<!tpu.dma_semaphore, #tpu.memory_space<semaphore_mem>>)
    %dma_wait3A_30 = arith.constant 0 : i32
    %dma_wait3A_31 = tpu.memref_slice %arg2[%add3A_9, %dma_wait3A_30] : memref<64x16384xf32, #tpu.memory_space<hbm>> -> memref<1x4096xf32, #tpu.memory_space<hbm>>
    %dma_wait3A_32 = tpu.memref_squeeze %dma_wait3A_31 : memref<1x4096xf32, #tpu.memory_space<hbm>> -> memref<4096xf32, #tpu.memory_space<hbm>>
    %dma_wait3A_33 = arith.constant 0 : i32
    %dma_wait3A_34 = tpu.memref_slice %arg2[%add3A_9, %dma_wait3A_33] : memref<64x16384xf32, #tpu.memory_space<hbm>> -> memref<1x4096xf32, #tpu.memory_space<hbm>>
    %dma_wait3A_35 = tpu.memref_squeeze %dma_wait3A_34 : memref<1x4096xf32, #tpu.memory_space<hbm>> -> memref<4096xf32, #tpu.memory_space<hbm>>
    tpu.wait_dma2 semaphore(%arg12 : memref<!tpu.dma_semaphore, #tpu.memory_space<semaphore_mem>>) src(%dma_wait3A_35 : memref<4096xf32, #tpu.memory_space<hbm>>) dst(%arg7 : memref<4096xf32, #tpu.memory_space<vmem>>)
    %parallel_loop3A = arith.constant 0 : i32
    %parallel_loop3A_36 = arith.constant 64 : i32
    %parallel_loop3A_37 = arith.constant 1 : i32
    %parallel_loop3A_38:4 = scf.for %parallel_loop3A_178 = %parallel_loop3A to %parallel_loop3A_36 step %parallel_loop3A_37 iter_args(%parallel_loop3A_179 = %broadcast_in_dim3A_16, %parallel_loop3A_180 = %broadcast_in_dim3A_16, %parallel_loop3A_181 = %broadcast_in_dim3A_16, %parallel_loop3A_182 = %broadcast_in_dim3A_16) -> (vector<16xf32>, vector<16xf32>, vector<16xf32>, vector<16xf32>)  : i32 {
      %parallel_loop3A_183 = arith.constant 4 : i32
      %parallel_loop3A_184 = arith.muli %parallel_loop3A_178, %parallel_loop3A_183 : i32
      %parallel_loop3A_185 = arith.constant 0 : i32
      %parallel_loop3A_186 = arith.addi %parallel_loop3A_184, %parallel_loop3A_185 : i32
      %parallel_loop3A_187 = arith.constant 16 : i32
      %parallel_loop3A_188 = arith.muli %parallel_loop3A_186, %parallel_loop3A_187 : i32
      %parallel_loop3A_189 = arith.constant 0 : i32
      %parallel_loop3A_190 = arith.addi %parallel_loop3A_189, %parallel_loop3A_188 : i32
      %parallel_loop3A_191 = arith.index_cast %parallel_loop3A_190 : i32 to index
      %parallel_loop3A_192 = tpu.vector_load %arg9[%parallel_loop3A_191] {strides = array<i32>} : memref<16384xi32, #tpu.memory_space<vmem>>, vector<16xi32>,
      %parallel_loop3A_193 = tpu.vector_load_idx %arg6[%parallel_loop3A_192] : memref<100000xf32, #tpu.memory_space<vmem>>[vector<16xi32>], vector<16xf32>,
      %parallel_loop3A_194 = arith.constant 4 : i32
      %parallel_loop3A_195 = arith.muli %parallel_loop3A_178, %parallel_loop3A_194 : i32
      %parallel_loop3A_196 = arith.constant 0 : i32
      %parallel_loop3A_197 = arith.addi %parallel_loop3A_195, %parallel_loop3A_196 : i32
      %parallel_loop3A_198 = arith.constant 16 : i32
      %parallel_loop3A_199 = arith.muli %parallel_loop3A_197, %parallel_loop3A_198 : i32
      %parallel_loop3A_200 = arith.index_cast %parallel_loop3A_199 : i32 to index
      %parallel_loop3A_201 = tpu.vector_load %arg7[%parallel_loop3A_200] {strides = array<i32>} : memref<4096xf32, #tpu.memory_space<vmem>>, vector<16xf32>,
      %parallel_loop3A_202 = arith.subf %parallel_loop3A_201, %parallel_loop3A_193 : vector<16xf32>
      %parallel_loop3A_203 = arith.mulf %parallel_loop3A_202, %parallel_loop3A_202 : vector<16xf32>
      %parallel_loop3A_204 = arith.addf %parallel_loop3A_179, %parallel_loop3A_203 : vector<16xf32>
      %parallel_loop3A_205 = arith.constant 4 : i32
      %parallel_loop3A_206 = arith.muli %parallel_loop3A_178, %parallel_loop3A_205 : i32
      %parallel_loop3A_207 = arith.constant 1 : i32
      %parallel_loop3A_208 = arith.addi %parallel_loop3A_206, %parallel_loop3A_207 : i32
      %parallel_loop3A_209 = arith.constant 16 : i32
      %parallel_loop3A_210 = arith.muli %parallel_loop3A_208, %parallel_loop3A_209 : i32
      %parallel_loop3A_211 = arith.constant 0 : i32
      %parallel_loop3A_212 = arith.addi %parallel_loop3A_211, %parallel_loop3A_210 : i32
      %parallel_loop3A_213 = arith.index_cast %parallel_loop3A_212 : i32 to index
      %parallel_loop3A_214 = tpu.vector_load %arg9[%parallel_loop3A_213] {strides = array<i32>} : memref<16384xi32, #tpu.memory_space<vmem>>, vector<16xi32>,
      %parallel_loop3A_215 = tpu.vector_load_idx %arg6[%parallel_loop3A_214] : memref<100000xf32, #tpu.memory_space<vmem>>[vector<16xi32>], vector<16xf32>,
      %parallel_loop3A_216 = arith.constant 4 : i32
      %parallel_loop3A_217 = arith.muli %parallel_loop3A_178, %parallel_loop3A_216 : i32
      %parallel_loop3A_218 = arith.constant 1 : i32
      %parallel_loop3A_219 = arith.addi %parallel_loop3A_217, %parallel_loop3A_218 : i32
      %parallel_loop3A_220 = arith.constant 16 : i32
      %parallel_loop3A_221 = arith.muli %parallel_loop3A_219, %parallel_loop3A_220 : i32
      %parallel_loop3A_222 = arith.index_cast %parallel_loop3A_221 : i32 to index
      %parallel_loop3A_223 = tpu.vector_load %arg7[%parallel_loop3A_222] {strides = array<i32>} : memref<4096xf32, #tpu.memory_space<vmem>>, vector<16xf32>,
      %parallel_loop3A_224 = arith.subf %parallel_loop3A_223, %parallel_loop3A_215 : vector<16xf32>
      %parallel_loop3A_225 = arith.mulf %parallel_loop3A_224, %parallel_loop3A_224 : vector<16xf32>
      %parallel_loop3A_226 = arith.addf %parallel_loop3A_180, %parallel_loop3A_225 : vector<16xf32>
      %parallel_loop3A_227 = arith.constant 4 : i32
      %parallel_loop3A_228 = arith.muli %parallel_loop3A_178, %parallel_loop3A_227 : i32
      %parallel_loop3A_229 = arith.constant 2 : i32
      %parallel_loop3A_230 = arith.addi %parallel_loop3A_228, %parallel_loop3A_229 : i32
      %parallel_loop3A_231 = arith.constant 16 : i32
      %parallel_loop3A_232 = arith.muli %parallel_loop3A_230, %parallel_loop3A_231 : i32
      %parallel_loop3A_233 = arith.constant 0 : i32
      %parallel_loop3A_234 = arith.addi %parallel_loop3A_233, %parallel_loop3A_232 : i32
      %parallel_loop3A_235 = arith.index_cast %parallel_loop3A_234 : i32 to index
      %parallel_loop3A_236 = tpu.vector_load %arg9[%parallel_loop3A_235] {strides = array<i32>} : memref<16384xi32, #tpu.memory_space<vmem>>, vector<16xi32>,
      %parallel_loop3A_237 = tpu.vector_load_idx %arg6[%parallel_loop3A_236] : memref<100000xf32, #tpu.memory_space<vmem>>[vector<16xi32>], vector<16xf32>,
      %parallel_loop3A_238 = arith.constant 4 : i32
      %parallel_loop3A_239 = arith.muli %parallel_loop3A_178, %parallel_loop3A_238 : i32
      %parallel_loop3A_240 = arith.constant 2 : i32
      %parallel_loop3A_241 = arith.addi %parallel_loop3A_239, %parallel_loop3A_240 : i32
      %parallel_loop3A_242 = arith.constant 16 : i32
      %parallel_loop3A_243 = arith.muli %parallel_loop3A_241, %parallel_loop3A_242 : i32
      %parallel_loop3A_244 = arith.index_cast %parallel_loop3A_243 : i32 to index
      %parallel_loop3A_245 = tpu.vector_load %arg7[%parallel_loop3A_244] {strides = array<i32>} : memref<4096xf32, #tpu.memory_space<vmem>>, vector<16xf32>,
      %parallel_loop3A_246 = arith.subf %parallel_loop3A_245, %parallel_loop3A_237 : vector<16xf32>
      %parallel_loop3A_247 = arith.mulf %parallel_loop3A_246, %parallel_loop3A_246 : vector<16xf32>
      %parallel_loop3A_248 = arith.addf %parallel_loop3A_181, %parallel_loop3A_247 : vector<16xf32>
      %parallel_loop3A_249 = arith.constant 4 : i32
      %parallel_loop3A_250 = arith.muli %parallel_loop3A_178, %parallel_loop3A_249 : i32
      %parallel_loop3A_251 = arith.constant 3 : i32
      %parallel_loop3A_252 = arith.addi %parallel_loop3A_250, %parallel_loop3A_251 : i32
      %parallel_loop3A_253 = arith.constant 16 : i32
      %parallel_loop3A_254 = arith.muli %parallel_loop3A_252, %parallel_loop3A_253 : i32
      %parallel_loop3A_255 = arith.constant 0 : i32
      %parallel_loop3A_256 = arith.addi %parallel_loop3A_255, %parallel_loop3A_254 : i32
      %parallel_loop3A_257 = arith.index_cast %parallel_loop3A_256 : i32 to index
      %parallel_loop3A_258 = tpu.vector_load %arg9[%parallel_loop3A_257] {strides = array<i32>} : memref<16384xi32, #tpu.memory_space<vmem>>, vector<16xi32>,
      %parallel_loop3A_259 = tpu.vector_load_idx %arg6[%parallel_loop3A_258] : memref<100000xf32, #tpu.memory_space<vmem>>[vector<16xi32>], vector<16xf32>,
      %parallel_loop3A_260 = arith.constant 4 : i32
      %parallel_loop3A_261 = arith.muli %parallel_loop3A_178, %parallel_loop3A_260 : i32
      %parallel_loop3A_262 = arith.constant 3 : i32
      %parallel_loop3A_263 = arith.addi %parallel_loop3A_261, %parallel_loop3A_262 : i32
      %parallel_loop3A_264 = arith.constant 16 : i32
      %parallel_loop3A_265 = arith.muli %parallel_loop3A_263, %parallel_loop3A_264 : i32
      %parallel_loop3A_266 = arith.index_cast %parallel_loop3A_265 : i32 to index
      %parallel_loop3A_267 = tpu.vector_load %arg7[%parallel_loop3A_266] {strides = array<i32>} : memref<4096xf32, #tpu.memory_space<vmem>>, vector<16xf32>,
      %parallel_loop3A_268 = arith.subf %parallel_loop3A_267, %parallel_loop3A_259 : vector<16xf32>
      %parallel_loop3A_269 = arith.mulf %parallel_loop3A_268, %parallel_loop3A_268 : vector<16xf32>
      %parallel_loop3A_270 = arith.addf %parallel_loop3A_182, %parallel_loop3A_269 : vector<16xf32>
      scf.yield %parallel_loop3A_204, %parallel_loop3A_226, %parallel_loop3A_248, %parallel_loop3A_270 : vector<16xf32>, vector<16xf32>, vector<16xf32>, vector<16xf32>
    } {sc.loop_unroll_factor = 1 : i64, sc.parallel_access}
    %add3A_39 = arith.constant 0 : i32
    %add3A_40 = arith.addi %add3A_39, %add3A : i32
    %dma_start3A_41 = arith.constant 8192 : i32
    %dma_start3A_42 = tpu.memref_slice %arg2[%add3A_40, %dma_start3A_41] : memref<64x16384xf32, #tpu.memory_space<hbm>> -> memref<1x4096xf32, #tpu.memory_space<hbm>>
    %dma_start3A_43 = tpu.memref_squeeze %dma_start3A_42 : memref<1x4096xf32, #tpu.memory_space<hbm>> -> memref<4096xf32, #tpu.memory_space<hbm>>
    %dma_start3A_44 = arith.constant 8192 : i32
    %dma_start3A_45 = tpu.memref_slice %arg2[%add3A_40, %dma_start3A_44] : memref<64x16384xf32, #tpu.memory_space<hbm>> -> memref<1x4096xf32, #tpu.memory_space<hbm>>
    %dma_start3A_46 = tpu.memref_squeeze %dma_start3A_45 : memref<1x4096xf32, #tpu.memory_space<hbm>> -> memref<4096xf32, #tpu.memory_space<hbm>>
    tpu.enqueue_dma source(%dma_start3A_46 : memref<4096xf32, #tpu.memory_space<hbm>>) target(%arg7 : memref<4096xf32, #tpu.memory_space<vmem>>) target_semaphore(%arg12 : memref<!tpu.dma_semaphore, #tpu.memory_space<semaphore_mem>>)
    %dma_wait3A_47 = arith.constant 4096 : i32
    %dma_wait3A_48 = tpu.memref_slice %arg2[%add3A_23, %dma_wait3A_47] : memref<64x16384xf32, #tpu.memory_space<hbm>> -> memref<1x4096xf32, #tpu.memory_space<hbm>>
    %dma_wait3A_49 = tpu.memref_squeeze %dma_wait3A_48 : memref<1x4096xf32, #tpu.memory_space<hbm>> -> memref<4096xf32, #tpu.memory_space<hbm>>
    %dma_wait3A_50 = arith.constant 4096 : i32
    %dma_wait3A_51 = tpu.memref_slice %arg2[%add3A_23, %dma_wait3A_50] : memref<64x16384xf32, #tpu.memory_space<hbm>> -> memref<1x4096xf32, #tpu.memory_space<hbm>>
    %dma_wait3A_52 = tpu.memref_squeeze %dma_wait3A_51 : memref<1x4096xf32, #tpu.memory_space<hbm>> -> memref<4096xf32, #tpu.memory_space<hbm>>
    tpu.wait_dma2 semaphore(%arg13 : memref<!tpu.dma_semaphore, #tpu.memory_space<semaphore_mem>>) src(%dma_wait3A_52 : memref<4096xf32, #tpu.memory_space<hbm>>) dst(%arg8 : memref<4096xf32, #tpu.memory_space<vmem>>)
    %parallel_loop3A_53 = arith.constant 0 : i32
    %parallel_loop3A_54 = arith.constant 64 : i32
    %parallel_loop3A_55 = arith.constant 1 : i32
    %parallel_loop3A_56:4 = scf.for %parallel_loop3A_178 = %parallel_loop3A_53 to %parallel_loop3A_54 step %parallel_loop3A_55 iter_args(%parallel_loop3A_179 = %parallel_loop3A_38#0, %parallel_loop3A_180 = %parallel_loop3A_38#1, %parallel_loop3A_181 = %parallel_loop3A_38#2, %parallel_loop3A_182 = %parallel_loop3A_38#3) -> (vector<16xf32>, vector<16xf32>, vector<16xf32>, vector<16xf32>)  : i32 {
      %parallel_loop3A_183 = arith.constant 4 : i32
      %parallel_loop3A_184 = arith.muli %parallel_loop3A_178, %parallel_loop3A_183 : i32
      %parallel_loop3A_185 = arith.constant 0 : i32
      %parallel_loop3A_186 = arith.addi %parallel_loop3A_184, %parallel_loop3A_185 : i32
      %parallel_loop3A_187 = arith.constant 16 : i32
      %parallel_loop3A_188 = arith.muli %parallel_loop3A_186, %parallel_loop3A_187 : i32
      %parallel_loop3A_189 = arith.constant 4096 : i32
      %parallel_loop3A_190 = arith.addi %parallel_loop3A_189, %parallel_loop3A_188 : i32
      %parallel_loop3A_191 = arith.index_cast %parallel_loop3A_190 : i32 to index
      %parallel_loop3A_192 = tpu.vector_load %arg9[%parallel_loop3A_191] {strides = array<i32>} : memref<16384xi32, #tpu.memory_space<vmem>>, vector<16xi32>,
      %parallel_loop3A_193 = tpu.vector_load_idx %arg6[%parallel_loop3A_192] : memref<100000xf32, #tpu.memory_space<vmem>>[vector<16xi32>], vector<16xf32>,
      %parallel_loop3A_194 = arith.constant 4 : i32
      %parallel_loop3A_195 = arith.muli %parallel_loop3A_178, %parallel_loop3A_194 : i32
      %parallel_loop3A_196 = arith.constant 0 : i32
      %parallel_loop3A_197 = arith.addi %parallel_loop3A_195, %parallel_loop3A_196 : i32
      %parallel_loop3A_198 = arith.constant 16 : i32
      %parallel_loop3A_199 = arith.muli %parallel_loop3A_197, %parallel_loop3A_198 : i32
      %parallel_loop3A_200 = arith.index_cast %parallel_loop3A_199 : i32 to index
      %parallel_loop3A_201 = tpu.vector_load %arg8[%parallel_loop3A_200] {strides = array<i32>} : memref<4096xf32, #tpu.memory_space<vmem>>, vector<16xf32>,
      %parallel_loop3A_202 = arith.subf %parallel_loop3A_201, %parallel_loop3A_193 : vector<16xf32>
      %parallel_loop3A_203 = arith.mulf %parallel_loop3A_202, %parallel_loop3A_202 : vector<16xf32>
      %parallel_loop3A_204 = arith.addf %parallel_loop3A_179, %parallel_loop3A_203 : vector<16xf32>
      %parallel_loop3A_205 = arith.constant 4 : i32
      %parallel_loop3A_206 = arith.muli %parallel_loop3A_178, %parallel_loop3A_205 : i32
      %parallel_loop3A_207 = arith.constant 1 : i32
      %parallel_loop3A_208 = arith.addi %parallel_loop3A_206, %parallel_loop3A_207 : i32
      %parallel_loop3A_209 = arith.constant 16 : i32
      %parallel_loop3A_210 = arith.muli %parallel_loop3A_208, %parallel_loop3A_209 : i32
      %parallel_loop3A_211 = arith.constant 4096 : i32
      %parallel_loop3A_212 = arith.addi %parallel_loop3A_211, %parallel_loop3A_210 : i32
      %parallel_loop3A_213 = arith.index_cast %parallel_loop3A_212 : i32 to index
      %parallel_loop3A_214 = tpu.vector_load %arg9[%parallel_loop3A_213] {strides = array<i32>} : memref<16384xi32, #tpu.memory_space<vmem>>, vector<16xi32>,
      %parallel_loop3A_215 = tpu.vector_load_idx %arg6[%parallel_loop3A_214] : memref<100000xf32, #tpu.memory_space<vmem>>[vector<16xi32>], vector<16xf32>,
      %parallel_loop3A_216 = arith.constant 4 : i32
      %parallel_loop3A_217 = arith.muli %parallel_loop3A_178, %parallel_loop3A_216 : i32
      %parallel_loop3A_218 = arith.constant 1 : i32
      %parallel_loop3A_219 = arith.addi %parallel_loop3A_217, %parallel_loop3A_218 : i32
      %parallel_loop3A_220 = arith.constant 16 : i32
      %parallel_loop3A_221 = arith.muli %parallel_loop3A_219, %parallel_loop3A_220 : i32
      %parallel_loop3A_222 = arith.index_cast %parallel_loop3A_221 : i32 to index
      %parallel_loop3A_223 = tpu.vector_load %arg8[%parallel_loop3A_222] {strides = array<i32>} : memref<4096xf32, #tpu.memory_space<vmem>>, vector<16xf32>,
      %parallel_loop3A_224 = arith.subf %parallel_loop3A_223, %parallel_loop3A_215 : vector<16xf32>
      %parallel_loop3A_225 = arith.mulf %parallel_loop3A_224, %parallel_loop3A_224 : vector<16xf32>
      %parallel_loop3A_226 = arith.addf %parallel_loop3A_180, %parallel_loop3A_225 : vector<16xf32>
      %parallel_loop3A_227 = arith.constant 4 : i32
      %parallel_loop3A_228 = arith.muli %parallel_loop3A_178, %parallel_loop3A_227 : i32
      %parallel_loop3A_229 = arith.constant 2 : i32
      %parallel_loop3A_230 = arith.addi %parallel_loop3A_228, %parallel_loop3A_229 : i32
      %parallel_loop3A_231 = arith.constant 16 : i32
      %parallel_loop3A_232 = arith.muli %parallel_loop3A_230, %parallel_loop3A_231 : i32
      %parallel_loop3A_233 = arith.constant 4096 : i32
      %parallel_loop3A_234 = arith.addi %parallel_loop3A_233, %parallel_loop3A_232 : i32
      %parallel_loop3A_235 = arith.index_cast %parallel_loop3A_234 : i32 to index
      %parallel_loop3A_236 = tpu.vector_load %arg9[%parallel_loop3A_235] {strides = array<i32>} : memref<16384xi32, #tpu.memory_space<vmem>>, vector<16xi32>,
      %parallel_loop3A_237 = tpu.vector_load_idx %arg6[%parallel_loop3A_236] : memref<100000xf32, #tpu.memory_space<vmem>>[vector<16xi32>], vector<16xf32>,
      %parallel_loop3A_238 = arith.constant 4 : i32
      %parallel_loop3A_239 = arith.muli %parallel_loop3A_178, %parallel_loop3A_238 : i32
      %parallel_loop3A_240 = arith.constant 2 : i32
      %parallel_loop3A_241 = arith.addi %parallel_loop3A_239, %parallel_loop3A_240 : i32
      %parallel_loop3A_242 = arith.constant 16 : i32
      %parallel_loop3A_243 = arith.muli %parallel_loop3A_241, %parallel_loop3A_242 : i32
      %parallel_loop3A_244 = arith.index_cast %parallel_loop3A_243 : i32 to index
      %parallel_loop3A_245 = tpu.vector_load %arg8[%parallel_loop3A_244] {strides = array<i32>} : memref<4096xf32, #tpu.memory_space<vmem>>, vector<16xf32>,
      %parallel_loop3A_246 = arith.subf %parallel_loop3A_245, %parallel_loop3A_237 : vector<16xf32>
      %parallel_loop3A_247 = arith.mulf %parallel_loop3A_246, %parallel_loop3A_246 : vector<16xf32>
      %parallel_loop3A_248 = arith.addf %parallel_loop3A_181, %parallel_loop3A_247 : vector<16xf32>
      %parallel_loop3A_249 = arith.constant 4 : i32
      %parallel_loop3A_250 = arith.muli %parallel_loop3A_178, %parallel_loop3A_249 : i32
      %parallel_loop3A_251 = arith.constant 3 : i32
      %parallel_loop3A_252 = arith.addi %parallel_loop3A_250, %parallel_loop3A_251 : i32
      %parallel_loop3A_253 = arith.constant 16 : i32
      %parallel_loop3A_254 = arith.muli %parallel_loop3A_252, %parallel_loop3A_253 : i32
      %parallel_loop3A_255 = arith.constant 4096 : i32
      %parallel_loop3A_256 = arith.addi %parallel_loop3A_255, %parallel_loop3A_254 : i32
      %parallel_loop3A_257 = arith.index_cast %parallel_loop3A_256 : i32 to index
      %parallel_loop3A_258 = tpu.vector_load %arg9[%parallel_loop3A_257] {strides = array<i32>} : memref<16384xi32, #tpu.memory_space<vmem>>, vector<16xi32>,
      %parallel_loop3A_259 = tpu.vector_load_idx %arg6[%parallel_loop3A_258] : memref<100000xf32, #tpu.memory_space<vmem>>[vector<16xi32>], vector<16xf32>,
      %parallel_loop3A_260 = arith.constant 4 : i32
      %parallel_loop3A_261 = arith.muli %parallel_loop3A_178, %parallel_loop3A_260 : i32
      %parallel_loop3A_262 = arith.constant 3 : i32
      %parallel_loop3A_263 = arith.addi %parallel_loop3A_261, %parallel_loop3A_262 : i32
      %parallel_loop3A_264 = arith.constant 16 : i32
      %parallel_loop3A_265 = arith.muli %parallel_loop3A_263, %parallel_loop3A_264 : i32
      %parallel_loop3A_266 = arith.index_cast %parallel_loop3A_265 : i32 to index
      %parallel_loop3A_267 = tpu.vector_load %arg8[%parallel_loop3A_266] {strides = array<i32>} : memref<4096xf32, #tpu.memory_space<vmem>>, vector<16xf32>,
      %parallel_loop3A_268 = arith.subf %parallel_loop3A_267, %parallel_loop3A_259 : vector<16xf32>
      %parallel_loop3A_269 = arith.mulf %parallel_loop3A_268, %parallel_loop3A_268 : vector<16xf32>
      %parallel_loop3A_270 = arith.addf %parallel_loop3A_182, %parallel_loop3A_269 : vector<16xf32>
      scf.yield %parallel_loop3A_204, %parallel_loop3A_226, %parallel_loop3A_248, %parallel_loop3A_270 : vector<16xf32>, vector<16xf32>, vector<16xf32>, vector<16xf32>
    } {sc.loop_unroll_factor = 1 : i64, sc.parallel_access}
    %add3A_57 = arith.constant 0 : i32
    %add3A_58 = arith.addi %add3A_57, %add3A : i32
    %dma_start3A_59 = arith.constant 12288 : i32
    %dma_start3A_60 = tpu.memref_slice %arg2[%add3A_58, %dma_start3A_59] : memref<64x16384xf32, #tpu.memory_space<hbm>> -> memref<1x4096xf32, #tpu.memory_space<hbm>>
    %dma_start3A_61 = tpu.memref_squeeze %dma_start3A_60 : memref<1x4096xf32, #tpu.memory_space<hbm>> -> memref<4096xf32, #tpu.memory_space<hbm>>
    %dma_start3A_62 = arith.constant 12288 : i32
    %dma_start3A_63 = tpu.memref_slice %arg2[%add3A_58, %dma_start3A_62] : memref<64x16384xf32, #tpu.memory_space<hbm>> -> memref<1x4096xf32, #tpu.memory_space<hbm>>
    %dma_start3A_64 = tpu.memref_squeeze %dma_start3A_63 : memref<1x4096xf32, #tpu.memory_space<hbm>> -> memref<4096xf32, #tpu.memory_space<hbm>>
    tpu.enqueue_dma source(%dma_start3A_64 : memref<4096xf32, #tpu.memory_space<hbm>>) target(%arg8 : memref<4096xf32, #tpu.memory_space<vmem>>) target_semaphore(%arg13 : memref<!tpu.dma_semaphore, #tpu.memory_space<semaphore_mem>>)
    %dma_wait3A_65 = arith.constant 8192 : i32
    %dma_wait3A_66 = tpu.memref_slice %arg2[%add3A_40, %dma_wait3A_65] : memref<64x16384xf32, #tpu.memory_space<hbm>> -> memref<1x4096xf32, #tpu.memory_space<hbm>>
    %dma_wait3A_67 = tpu.memref_squeeze %dma_wait3A_66 : memref<1x4096xf32, #tpu.memory_space<hbm>> -> memref<4096xf32, #tpu.memory_space<hbm>>
    %dma_wait3A_68 = arith.constant 8192 : i32
    %dma_wait3A_69 = tpu.memref_slice %arg2[%add3A_40, %dma_wait3A_68] : memref<64x16384xf32, #tpu.memory_space<hbm>> -> memref<1x4096xf32, #tpu.memory_space<hbm>>
    %dma_wait3A_70 = tpu.memref_squeeze %dma_wait3A_69 : memref<1x4096xf32, #tpu.memory_space<hbm>> -> memref<4096xf32, #tpu.memory_space<hbm>>
    tpu.wait_dma2 semaphore(%arg12 : memref<!tpu.dma_semaphore, #tpu.memory_space<semaphore_mem>>) src(%dma_wait3A_70 : memref<4096xf32, #tpu.memory_space<hbm>>) dst(%arg7 : memref<4096xf32, #tpu.memory_space<vmem>>)
    %parallel_loop3A_71 = arith.constant 0 : i32
    %parallel_loop3A_72 = arith.constant 64 : i32
    %parallel_loop3A_73 = arith.constant 1 : i32
    %parallel_loop3A_74:4 = scf.for %parallel_loop3A_178 = %parallel_loop3A_71 to %parallel_loop3A_72 step %parallel_loop3A_73 iter_args(%parallel_loop3A_179 = %parallel_loop3A_56#0, %parallel_loop3A_180 = %parallel_loop3A_56#1, %parallel_loop3A_181 = %parallel_loop3A_56#2, %parallel_loop3A_182 = %parallel_loop3A_56#3) -> (vector<16xf32>, vector<16xf32>, vector<16xf32>, vector<16xf32>)  : i32 {
      %parallel_loop3A_183 = arith.constant 4 : i32
      %parallel_loop3A_184 = arith.muli %parallel_loop3A_178, %parallel_loop3A_183 : i32
      %parallel_loop3A_185 = arith.constant 0 : i32
      %parallel_loop3A_186 = arith.addi %parallel_loop3A_184, %parallel_loop3A_185 : i32
      %parallel_loop3A_187 = arith.constant 16 : i32
      %parallel_loop3A_188 = arith.muli %parallel_loop3A_186, %parallel_loop3A_187 : i32
      %parallel_loop3A_189 = arith.constant 8192 : i32
      %parallel_loop3A_190 = arith.addi %parallel_loop3A_189, %parallel_loop3A_188 : i32
      %parallel_loop3A_191 = arith.index_cast %parallel_loop3A_190 : i32 to index
      %parallel_loop3A_192 = tpu.vector_load %arg9[%parallel_loop3A_191] {strides = array<i32>} : memref<16384xi32, #tpu.memory_space<vmem>>, vector<16xi32>,
      %parallel_loop3A_193 = tpu.vector_load_idx %arg6[%parallel_loop3A_192] : memref<100000xf32, #tpu.memory_space<vmem>>[vector<16xi32>], vector<16xf32>,
      %parallel_loop3A_194 = arith.constant 4 : i32
      %parallel_loop3A_195 = arith.muli %parallel_loop3A_178, %parallel_loop3A_194 : i32
      %parallel_loop3A_196 = arith.constant 0 : i32
      %parallel_loop3A_197 = arith.addi %parallel_loop3A_195, %parallel_loop3A_196 : i32
      %parallel_loop3A_198 = arith.constant 16 : i32
      %parallel_loop3A_199 = arith.muli %parallel_loop3A_197, %parallel_loop3A_198 : i32
      %parallel_loop3A_200 = arith.index_cast %parallel_loop3A_199 : i32 to index
      %parallel_loop3A_201 = tpu.vector_load %arg7[%parallel_loop3A_200] {strides = array<i32>} : memref<4096xf32, #tpu.memory_space<vmem>>, vector<16xf32>,
      %parallel_loop3A_202 = arith.subf %parallel_loop3A_201, %parallel_loop3A_193 : vector<16xf32>
      %parallel_loop3A_203 = arith.mulf %parallel_loop3A_202, %parallel_loop3A_202 : vector<16xf32>
      %parallel_loop3A_204 = arith.addf %parallel_loop3A_179, %parallel_loop3A_203 : vector<16xf32>
      %parallel_loop3A_205 = arith.constant 4 : i32
      %parallel_loop3A_206 = arith.muli %parallel_loop3A_178, %parallel_loop3A_205 : i32
      %parallel_loop3A_207 = arith.constant 1 : i32
      %parallel_loop3A_208 = arith.addi %parallel_loop3A_206, %parallel_loop3A_207 : i32
      %parallel_loop3A_209 = arith.constant 16 : i32
      %parallel_loop3A_210 = arith.muli %parallel_loop3A_208, %parallel_loop3A_209 : i32
      %parallel_loop3A_211 = arith.constant 8192 : i32
      %parallel_loop3A_212 = arith.addi %parallel_loop3A_211, %parallel_loop3A_210 : i32
      %parallel_loop3A_213 = arith.index_cast %parallel_loop3A_212 : i32 to index
      %parallel_loop3A_214 = tpu.vector_load %arg9[%parallel_loop3A_213] {strides = array<i32>} : memref<16384xi32, #tpu.memory_space<vmem>>, vector<16xi32>,
      %parallel_loop3A_215 = tpu.vector_load_idx %arg6[%parallel_loop3A_214] : memref<100000xf32, #tpu.memory_space<vmem>>[vector<16xi32>], vector<16xf32>,
      %parallel_loop3A_216 = arith.constant 4 : i32
      %parallel_loop3A_217 = arith.muli %parallel_loop3A_178, %parallel_loop3A_216 : i32
      %parallel_loop3A_218 = arith.constant 1 : i32
      %parallel_loop3A_219 = arith.addi %parallel_loop3A_217, %parallel_loop3A_218 : i32
      %parallel_loop3A_220 = arith.constant 16 : i32
      %parallel_loop3A_221 = arith.muli %parallel_loop3A_219, %parallel_loop3A_220 : i32
      %parallel_loop3A_222 = arith.index_cast %parallel_loop3A_221 : i32 to index
      %parallel_loop3A_223 = tpu.vector_load %arg7[%parallel_loop3A_222] {strides = array<i32>} : memref<4096xf32, #tpu.memory_space<vmem>>, vector<16xf32>,
      %parallel_loop3A_224 = arith.subf %parallel_loop3A_223, %parallel_loop3A_215 : vector<16xf32>
      %parallel_loop3A_225 = arith.mulf %parallel_loop3A_224, %parallel_loop3A_224 : vector<16xf32>
      %parallel_loop3A_226 = arith.addf %parallel_loop3A_180, %parallel_loop3A_225 : vector<16xf32>
      %parallel_loop3A_227 = arith.constant 4 : i32
      %parallel_loop3A_228 = arith.muli %parallel_loop3A_178, %parallel_loop3A_227 : i32
      %parallel_loop3A_229 = arith.constant 2 : i32
      %parallel_loop3A_230 = arith.addi %parallel_loop3A_228, %parallel_loop3A_229 : i32
      %parallel_loop3A_231 = arith.constant 16 : i32
      %parallel_loop3A_232 = arith.muli %parallel_loop3A_230, %parallel_loop3A_231 : i32
      %parallel_loop3A_233 = arith.constant 8192 : i32
      %parallel_loop3A_234 = arith.addi %parallel_loop3A_233, %parallel_loop3A_232 : i32
      %parallel_loop3A_235 = arith.index_cast %parallel_loop3A_234 : i32 to index
      %parallel_loop3A_236 = tpu.vector_load %arg9[%parallel_loop3A_235] {strides = array<i32>} : memref<16384xi32, #tpu.memory_space<vmem>>, vector<16xi32>,
      %parallel_loop3A_237 = tpu.vector_load_idx %arg6[%parallel_loop3A_236] : memref<100000xf32, #tpu.memory_space<vmem>>[vector<16xi32>], vector<16xf32>,
      %parallel_loop3A_238 = arith.constant 4 : i32
      %parallel_loop3A_239 = arith.muli %parallel_loop3A_178, %parallel_loop3A_238 : i32
      %parallel_loop3A_240 = arith.constant 2 : i32
      %parallel_loop3A_241 = arith.addi %parallel_loop3A_239, %parallel_loop3A_240 : i32
      %parallel_loop3A_242 = arith.constant 16 : i32
      %parallel_loop3A_243 = arith.muli %parallel_loop3A_241, %parallel_loop3A_242 : i32
      %parallel_loop3A_244 = arith.index_cast %parallel_loop3A_243 : i32 to index
      %parallel_loop3A_245 = tpu.vector_load %arg7[%parallel_loop3A_244] {strides = array<i32>} : memref<4096xf32, #tpu.memory_space<vmem>>, vector<16xf32>,
      %parallel_loop3A_246 = arith.subf %parallel_loop3A_245, %parallel_loop3A_237 : vector<16xf32>
      %parallel_loop3A_247 = arith.mulf %parallel_loop3A_246, %parallel_loop3A_246 : vector<16xf32>
      %parallel_loop3A_248 = arith.addf %parallel_loop3A_181, %parallel_loop3A_247 : vector<16xf32>
      %parallel_loop3A_249 = arith.constant 4 : i32
      %parallel_loop3A_250 = arith.muli %parallel_loop3A_178, %parallel_loop3A_249 : i32
      %parallel_loop3A_251 = arith.constant 3 : i32
      %parallel_loop3A_252 = arith.addi %parallel_loop3A_250, %parallel_loop3A_251 : i32
      %parallel_loop3A_253 = arith.constant 16 : i32
      %parallel_loop3A_254 = arith.muli %parallel_loop3A_252, %parallel_loop3A_253 : i32
      %parallel_loop3A_255 = arith.constant 8192 : i32
      %parallel_loop3A_256 = arith.addi %parallel_loop3A_255, %parallel_loop3A_254 : i32
      %parallel_loop3A_257 = arith.index_cast %parallel_loop3A_256 : i32 to index
      %parallel_loop3A_258 = tpu.vector_load %arg9[%parallel_loop3A_257] {strides = array<i32>} : memref<16384xi32, #tpu.memory_space<vmem>>, vector<16xi32>,
      %parallel_loop3A_259 = tpu.vector_load_idx %arg6[%parallel_loop3A_258] : memref<100000xf32, #tpu.memory_space<vmem>>[vector<16xi32>], vector<16xf32>,
      %parallel_loop3A_260 = arith.constant 4 : i32
      %parallel_loop3A_261 = arith.muli %parallel_loop3A_178, %parallel_loop3A_260 : i32
      %parallel_loop3A_262 = arith.constant 3 : i32
      %parallel_loop3A_263 = arith.addi %parallel_loop3A_261, %parallel_loop3A_262 : i32
      %parallel_loop3A_264 = arith.constant 16 : i32
      %parallel_loop3A_265 = arith.muli %parallel_loop3A_263, %parallel_loop3A_264 : i32
      %parallel_loop3A_266 = arith.index_cast %parallel_loop3A_265 : i32 to index
      %parallel_loop3A_267 = tpu.vector_load %arg7[%parallel_loop3A_266] {strides = array<i32>} : memref<4096xf32, #tpu.memory_space<vmem>>, vector<16xf32>,
      %parallel_loop3A_268 = arith.subf %parallel_loop3A_267, %parallel_loop3A_259 : vector<16xf32>
      %parallel_loop3A_269 = arith.mulf %parallel_loop3A_268, %parallel_loop3A_268 : vector<16xf32>
      %parallel_loop3A_270 = arith.addf %parallel_loop3A_182, %parallel_loop3A_269 : vector<16xf32>
      scf.yield %parallel_loop3A_204, %parallel_loop3A_226, %parallel_loop3A_248, %parallel_loop3A_270 : vector<16xf32>, vector<16xf32>, vector<16xf32>, vector<16xf32>
    } {sc.loop_unroll_factor = 1 : i64, sc.parallel_access}
    %add3A_75 = arith.constant 32 : i32
    %add3A_76 = arith.addi %add3A_75, %add3A : i32
    %dma_start3A_77 = arith.constant 0 : i32
    %dma_start3A_78 = tpu.memref_slice %arg2[%add3A_76, %dma_start3A_77] : memref<64x16384xf32, #tpu.memory_space<hbm>> -> memref<1x4096xf32, #tpu.memory_space<hbm>>
    %dma_start3A_79 = tpu.memref_squeeze %dma_start3A_78 : memref<1x4096xf32, #tpu.memory_space<hbm>> -> memref<4096xf32, #tpu.memory_space<hbm>>
    %dma_start3A_80 = arith.constant 0 : i32
    %dma_start3A_81 = tpu.memref_slice %arg2[%add3A_76, %dma_start3A_80] : memref<64x16384xf32, #tpu.memory_space<hbm>> -> memref<1x4096xf32, #tpu.memory_space<hbm>>
    %dma_start3A_82 = tpu.memref_squeeze %dma_start3A_81 : memref<1x4096xf32, #tpu.memory_space<hbm>> -> memref<4096xf32, #tpu.memory_space<hbm>>
    tpu.enqueue_dma source(%dma_start3A_82 : memref<4096xf32, #tpu.memory_space<hbm>>) target(%arg7 : memref<4096xf32, #tpu.memory_space<vmem>>) target_semaphore(%arg12 : memref<!tpu.dma_semaphore, #tpu.memory_space<semaphore_mem>>)
    %dma_wait3A_83 = arith.constant 12288 : i32
    %dma_wait3A_84 = tpu.memref_slice %arg2[%add3A_58, %dma_wait3A_83] : memref<64x16384xf32, #tpu.memory_space<hbm>> -> memref<1x4096xf32, #tpu.memory_space<hbm>>
    %dma_wait3A_85 = tpu.memref_squeeze %dma_wait3A_84 : memref<1x4096xf32, #tpu.memory_space<hbm>> -> memref<4096xf32, #tpu.memory_space<hbm>>
    %dma_wait3A_86 = arith.constant 12288 : i32
    %dma_wait3A_87 = tpu.memref_slice %arg2[%add3A_58, %dma_wait3A_86] : memref<64x16384xf32, #tpu.memory_space<hbm>> -> memref<1x4096xf32, #tpu.memory_space<hbm>>
    %dma_wait3A_88 = tpu.memref_squeeze %dma_wait3A_87 : memref<1x4096xf32, #tpu.memory_space<hbm>> -> memref<4096xf32, #tpu.memory_space<hbm>>
    tpu.wait_dma2 semaphore(%arg13 : memref<!tpu.dma_semaphore, #tpu.memory_space<semaphore_mem>>) src(%dma_wait3A_88 : memref<4096xf32, #tpu.memory_space<hbm>>) dst(%arg8 : memref<4096xf32, #tpu.memory_space<vmem>>)
    %parallel_loop3A_89 = arith.constant 0 : i32
    %parallel_loop3A_90 = arith.constant 64 : i32
    %parallel_loop3A_91 = arith.constant 1 : i32
    %parallel_loop3A_92:4 = scf.for %parallel_loop3A_178 = %parallel_loop3A_89 to %parallel_loop3A_90 step %parallel_loop3A_91 iter_args(%parallel_loop3A_179 = %parallel_loop3A_74#0, %parallel_loop3A_180 = %parallel_loop3A_74#1, %parallel_loop3A_181 = %parallel_loop3A_74#2, %parallel_loop3A_182 = %parallel_loop3A_74#3) -> (vector<16xf32>, vector<16xf32>, vector<16xf32>, vector<16xf32>)  : i32 {
      %parallel_loop3A_183 = arith.constant 4 : i32
      %parallel_loop3A_184 = arith.muli %parallel_loop3A_178, %parallel_loop3A_183 : i32
      %parallel_loop3A_185 = arith.constant 0 : i32
      %parallel_loop3A_186 = arith.addi %parallel_loop3A_184, %parallel_loop3A_185 : i32
      %parallel_loop3A_187 = arith.constant 16 : i32
      %parallel_loop3A_188 = arith.muli %parallel_loop3A_186, %parallel_loop3A_187 : i32
      %parallel_loop3A_189 = arith.constant 12288 : i32
      %parallel_loop3A_190 = arith.addi %parallel_loop3A_189, %parallel_loop3A_188 : i32
      %parallel_loop3A_191 = arith.index_cast %parallel_loop3A_190 : i32 to index
      %parallel_loop3A_192 = tpu.vector_load %arg9[%parallel_loop3A_191] {strides = array<i32>} : memref<16384xi32, #tpu.memory_space<vmem>>, vector<16xi32>,
      %parallel_loop3A_193 = tpu.vector_load_idx %arg6[%parallel_loop3A_192] : memref<100000xf32, #tpu.memory_space<vmem>>[vector<16xi32>], vector<16xf32>,
      %parallel_loop3A_194 = arith.constant 4 : i32
      %parallel_loop3A_195 = arith.muli %parallel_loop3A_178, %parallel_loop3A_194 : i32
      %parallel_loop3A_196 = arith.constant 0 : i32
      %parallel_loop3A_197 = arith.addi %parallel_loop3A_195, %parallel_loop3A_196 : i32
      %parallel_loop3A_198 = arith.constant 16 : i32
      %parallel_loop3A_199 = arith.muli %parallel_loop3A_197, %parallel_loop3A_198 : i32
      %parallel_loop3A_200 = arith.index_cast %parallel_loop3A_199 : i32 to index
      %parallel_loop3A_201 = tpu.vector_load %arg8[%parallel_loop3A_200] {strides = array<i32>} : memref<4096xf32, #tpu.memory_space<vmem>>, vector<16xf32>,
      %parallel_loop3A_202 = arith.subf %parallel_loop3A_201, %parallel_loop3A_193 : vector<16xf32>
      %parallel_loop3A_203 = arith.mulf %parallel_loop3A_202, %parallel_loop3A_202 : vector<16xf32>
      %parallel_loop3A_204 = arith.addf %parallel_loop3A_179, %parallel_loop3A_203 : vector<16xf32>
      %parallel_loop3A_205 = arith.constant 4 : i32
      %parallel_loop3A_206 = arith.muli %parallel_loop3A_178, %parallel_loop3A_205 : i32
      %parallel_loop3A_207 = arith.constant 1 : i32
      %parallel_loop3A_208 = arith.addi %parallel_loop3A_206, %parallel_loop3A_207 : i32
      %parallel_loop3A_209 = arith.constant 16 : i32
      %parallel_loop3A_210 = arith.muli %parallel_loop3A_208, %parallel_loop3A_209 : i32
      %parallel_loop3A_211 = arith.constant 12288 : i32
      %parallel_loop3A_212 = arith.addi %parallel_loop3A_211, %parallel_loop3A_210 : i32
      %parallel_loop3A_213 = arith.index_cast %parallel_loop3A_212 : i32 to index
      %parallel_loop3A_214 = tpu.vector_load %arg9[%parallel_loop3A_213] {strides = array<i32>} : memref<16384xi32, #tpu.memory_space<vmem>>, vector<16xi32>,
      %parallel_loop3A_215 = tpu.vector_load_idx %arg6[%parallel_loop3A_214] : memref<100000xf32, #tpu.memory_space<vmem>>[vector<16xi32>], vector<16xf32>,
      %parallel_loop3A_216 = arith.constant 4 : i32
      %parallel_loop3A_217 = arith.muli %parallel_loop3A_178, %parallel_loop3A_216 : i32
      %parallel_loop3A_218 = arith.constant 1 : i32
      %parallel_loop3A_219 = arith.addi %parallel_loop3A_217, %parallel_loop3A_218 : i32
      %parallel_loop3A_220 = arith.constant 16 : i32
      %parallel_loop3A_221 = arith.muli %parallel_loop3A_219, %parallel_loop3A_220 : i32
      %parallel_loop3A_222 = arith.index_cast %parallel_loop3A_221 : i32 to index
      %parallel_loop3A_223 = tpu.vector_load %arg8[%parallel_loop3A_222] {strides = array<i32>} : memref<4096xf32, #tpu.memory_space<vmem>>, vector<16xf32>,
      %parallel_loop3A_224 = arith.subf %parallel_loop3A_223, %parallel_loop3A_215 : vector<16xf32>
      %parallel_loop3A_225 = arith.mulf %parallel_loop3A_224, %parallel_loop3A_224 : vector<16xf32>
      %parallel_loop3A_226 = arith.addf %parallel_loop3A_180, %parallel_loop3A_225 : vector<16xf32>
      %parallel_loop3A_227 = arith.constant 4 : i32
      %parallel_loop3A_228 = arith.muli %parallel_loop3A_178, %parallel_loop3A_227 : i32
      %parallel_loop3A_229 = arith.constant 2 : i32
      %parallel_loop3A_230 = arith.addi %parallel_loop3A_228, %parallel_loop3A_229 : i32
      %parallel_loop3A_231 = arith.constant 16 : i32
      %parallel_loop3A_232 = arith.muli %parallel_loop3A_230, %parallel_loop3A_231 : i32
      %parallel_loop3A_233 = arith.constant 12288 : i32
      %parallel_loop3A_234 = arith.addi %parallel_loop3A_233, %parallel_loop3A_232 : i32
      %parallel_loop3A_235 = arith.index_cast %parallel_loop3A_234 : i32 to index
      %parallel_loop3A_236 = tpu.vector_load %arg9[%parallel_loop3A_235] {strides = array<i32>} : memref<16384xi32, #tpu.memory_space<vmem>>, vector<16xi32>,
      %parallel_loop3A_237 = tpu.vector_load_idx %arg6[%parallel_loop3A_236] : memref<100000xf32, #tpu.memory_space<vmem>>[vector<16xi32>], vector<16xf32>,
      %parallel_loop3A_238 = arith.constant 4 : i32
      %parallel_loop3A_239 = arith.muli %parallel_loop3A_178, %parallel_loop3A_238 : i32
      %parallel_loop3A_240 = arith.constant 2 : i32
      %parallel_loop3A_241 = arith.addi %parallel_loop3A_239, %parallel_loop3A_240 : i32
      %parallel_loop3A_242 = arith.constant 16 : i32
      %parallel_loop3A_243 = arith.muli %parallel_loop3A_241, %parallel_loop3A_242 : i32
      %parallel_loop3A_244 = arith.index_cast %parallel_loop3A_243 : i32 to index
      %parallel_loop3A_245 = tpu.vector_load %arg8[%parallel_loop3A_244] {strides = array<i32>} : memref<4096xf32, #tpu.memory_space<vmem>>, vector<16xf32>,
      %parallel_loop3A_246 = arith.subf %parallel_loop3A_245, %parallel_loop3A_237 : vector<16xf32>
      %parallel_loop3A_247 = arith.mulf %parallel_loop3A_246, %parallel_loop3A_246 : vector<16xf32>
      %parallel_loop3A_248 = arith.addf %parallel_loop3A_181, %parallel_loop3A_247 : vector<16xf32>
      %parallel_loop3A_249 = arith.constant 4 : i32
      %parallel_loop3A_250 = arith.muli %parallel_loop3A_178, %parallel_loop3A_249 : i32
      %parallel_loop3A_251 = arith.constant 3 : i32
      %parallel_loop3A_252 = arith.addi %parallel_loop3A_250, %parallel_loop3A_251 : i32
      %parallel_loop3A_253 = arith.constant 16 : i32
      %parallel_loop3A_254 = arith.muli %parallel_loop3A_252, %parallel_loop3A_253 : i32
      %parallel_loop3A_255 = arith.constant 12288 : i32
      %parallel_loop3A_256 = arith.addi %parallel_loop3A_255, %parallel_loop3A_254 : i32
      %parallel_loop3A_257 = arith.index_cast %parallel_loop3A_256 : i32 to index
      %parallel_loop3A_258 = tpu.vector_load %arg9[%parallel_loop3A_257] {strides = array<i32>} : memref<16384xi32, #tpu.memory_space<vmem>>, vector<16xi32>,
      %parallel_loop3A_259 = tpu.vector_load_idx %arg6[%parallel_loop3A_258] : memref<100000xf32, #tpu.memory_space<vmem>>[vector<16xi32>], vector<16xf32>,
      %parallel_loop3A_260 = arith.constant 4 : i32
      %parallel_loop3A_261 = arith.muli %parallel_loop3A_178, %parallel_loop3A_260 : i32
      %parallel_loop3A_262 = arith.constant 3 : i32
      %parallel_loop3A_263 = arith.addi %parallel_loop3A_261, %parallel_loop3A_262 : i32
      %parallel_loop3A_264 = arith.constant 16 : i32
      %parallel_loop3A_265 = arith.muli %parallel_loop3A_263, %parallel_loop3A_264 : i32
      %parallel_loop3A_266 = arith.index_cast %parallel_loop3A_265 : i32 to index
      %parallel_loop3A_267 = tpu.vector_load %arg8[%parallel_loop3A_266] {strides = array<i32>} : memref<4096xf32, #tpu.memory_space<vmem>>, vector<16xf32>,
      %parallel_loop3A_268 = arith.subf %parallel_loop3A_267, %parallel_loop3A_259 : vector<16xf32>
      %parallel_loop3A_269 = arith.mulf %parallel_loop3A_268, %parallel_loop3A_268 : vector<16xf32>
      %parallel_loop3A_270 = arith.addf %parallel_loop3A_182, %parallel_loop3A_269 : vector<16xf32>
      scf.yield %parallel_loop3A_204, %parallel_loop3A_226, %parallel_loop3A_248, %parallel_loop3A_270 : vector<16xf32>, vector<16xf32>, vector<16xf32>, vector<16xf32>
    } {sc.loop_unroll_factor = 1 : i64, sc.parallel_access}
    %add3A_93 = arith.constant 32 : i32
    %add3A_94 = arith.addi %add3A_93, %add3A : i32
    %dma_start3A_95 = arith.constant 0 : i32
    %dma_start3A_96 = tpu.memref_slice %arg4[%add3A_94, %dma_start3A_95] : memref<64x100000xf32, #tpu.memory_space<hbm>> -> memref<1x100000xf32, #tpu.memory_space<hbm>>
    %dma_start3A_97 = tpu.memref_squeeze %dma_start3A_96 : memref<1x100000xf32, #tpu.memory_space<hbm>> -> memref<100000xf32, #tpu.memory_space<hbm>>
    %dma_start3A_98 = arith.constant 0 : i32
    %dma_start3A_99 = tpu.memref_slice %arg4[%add3A_94, %dma_start3A_98] : memref<64x100000xf32, #tpu.memory_space<hbm>> -> memref<1x100000xf32, #tpu.memory_space<hbm>>
    %dma_start3A_100 = tpu.memref_squeeze %dma_start3A_99 : memref<1x100000xf32, #tpu.memory_space<hbm>> -> memref<100000xf32, #tpu.memory_space<hbm>>
    tpu.enqueue_dma source(%dma_start3A_100 : memref<100000xf32, #tpu.memory_space<hbm>>) target(%arg6 : memref<100000xf32, #tpu.memory_space<vmem>>) target_semaphore(%arg11 : memref<!tpu.dma_semaphore, #tpu.memory_space<semaphore_mem>>)
    %dma_wait3A_101 = arith.constant 0 : i32
    %dma_wait3A_102 = tpu.memref_slice %arg4[%add3A_94, %dma_wait3A_101] : memref<64x100000xf32, #tpu.memory_space<hbm>> -> memref<1x100000xf32, #tpu.memory_space<hbm>>
    %dma_wait3A_103 = tpu.memref_squeeze %dma_wait3A_102 : memref<1x100000xf32, #tpu.memory_space<hbm>> -> memref<100000xf32, #tpu.memory_space<hbm>>
    %dma_wait3A_104 = arith.constant 0 : i32
    %dma_wait3A_105 = tpu.memref_slice %arg4[%add3A_94, %dma_wait3A_104] : memref<64x100000xf32, #tpu.memory_space<hbm>> -> memref<1x100000xf32, #tpu.memory_space<hbm>>
    %dma_wait3A_106 = tpu.memref_squeeze %dma_wait3A_105 : memref<1x100000xf32, #tpu.memory_space<hbm>> -> memref<100000xf32, #tpu.memory_space<hbm>>
    tpu.wait_dma2 semaphore(%arg11 : memref<!tpu.dma_semaphore, #tpu.memory_space<semaphore_mem>>) src(%dma_wait3A_106 : memref<100000xf32, #tpu.memory_space<hbm>>) dst(%arg6 : memref<100000xf32, #tpu.memory_space<vmem>>)
    %add3A_107 = arith.constant 32 : i32
    %add3A_108 = arith.addi %add3A_107, %add3A : i32
    %dma_start3A_109 = arith.constant 4096 : i32
    %dma_start3A_110 = tpu.memref_slice %arg2[%add3A_108, %dma_start3A_109] : memref<64x16384xf32, #tpu.memory_space<hbm>> -> memref<1x4096xf32, #tpu.memory_space<hbm>>
    %dma_start3A_111 = tpu.memref_squeeze %dma_start3A_110 : memref<1x4096xf32, #tpu.memory_space<hbm>> -> memref<4096xf32, #tpu.memory_space<hbm>>
    %dma_start3A_112 = arith.constant 4096 : i32
    %dma_start3A_113 = tpu.memref_slice %arg2[%add3A_108, %dma_start3A_112] : memref<64x16384xf32, #tpu.memory_space<hbm>> -> memref<1x4096xf32, #tpu.memory_space<hbm>>
    %dma_start3A_114 = tpu.memref_squeeze %dma_start3A_113 : memref<1x4096xf32, #tpu.memory_space<hbm>> -> memref<4096xf32, #tpu.memory_space<hbm>>
    tpu.enqueue_dma source(%dma_start3A_114 : memref<4096xf32, #tpu.memory_space<hbm>>) target(%arg8 : memref<4096xf32, #tpu.memory_space<vmem>>) target_semaphore(%arg13 : memref<!tpu.dma_semaphore, #tpu.memory_space<semaphore_mem>>)
    %dma_wait3A_115 = arith.constant 0 : i32
    %dma_wait3A_116 = tpu.memref_slice %arg2[%add3A_76, %dma_wait3A_115] : memref<64x16384xf32, #tpu.memory_space<hbm>> -> memref<1x4096xf32, #tpu.memory_space<hbm>>
    %dma_wait3A_117 = tpu.memref_squeeze %dma_wait3A_116 : memref<1x4096xf32, #tpu.memory_space<hbm>> -> memref<4096xf32, #tpu.memory_space<hbm>>
    %dma_wait3A_118 = arith.constant 0 : i32
    %dma_wait3A_119 = tpu.memref_slice %arg2[%add3A_76, %dma_wait3A_118] : memref<64x16384xf32, #tpu.memory_space<hbm>> -> memref<1x4096xf32, #tpu.memory_space<hbm>>
    %dma_wait3A_120 = tpu.memref_squeeze %dma_wait3A_119 : memref<1x4096xf32, #tpu.memory_space<hbm>> -> memref<4096xf32, #tpu.memory_space<hbm>>
    tpu.wait_dma2 semaphore(%arg12 : memref<!tpu.dma_semaphore, #tpu.memory_space<semaphore_mem>>) src(%dma_wait3A_120 : memref<4096xf32, #tpu.memory_space<hbm>>) dst(%arg7 : memref<4096xf32, #tpu.memory_space<vmem>>)
    %parallel_loop3A_121 = arith.constant 0 : i32
    %parallel_loop3A_122 = arith.constant 64 : i32
    %parallel_loop3A_123 = arith.constant 1 : i32
    %parallel_loop3A_124:4 = scf.for %parallel_loop3A_178 = %parallel_loop3A_121 to %parallel_loop3A_122 step %parallel_loop3A_123 iter_args(%parallel_loop3A_179 = %parallel_loop3A_92#0, %parallel_loop3A_180 = %parallel_loop3A_92#1, %parallel_loop3A_181 = %parallel_loop3A_92#2, %parallel_loop3A_182 = %parallel_loop3A_92#3) -> (vector<16xf32>, vector<16xf32>, vector<16xf32>, vector<16xf32>)  : i32 {
      %parallel_loop3A_183 = arith.constant 4 : i32
      %parallel_loop3A_184 = arith.muli %parallel_loop3A_178, %parallel_loop3A_183 : i32
      %parallel_loop3A_185 = arith.constant 0 : i32
      %parallel_loop3A_186 = arith.addi %parallel_loop3A_184, %parallel_loop3A_185 : i32
      %parallel_loop3A_187 = arith.constant 16 : i32
      %parallel_loop3A_188 = arith.muli %parallel_loop3A_186, %parallel_loop3A_187 : i32
      %parallel_loop3A_189 = arith.constant 0 : i32
      %parallel_loop3A_190 = arith.addi %parallel_loop3A_189, %parallel_loop3A_188 : i32
      %parallel_loop3A_191 = arith.index_cast %parallel_loop3A_190 : i32 to index
      %parallel_loop3A_192 = tpu.vector_load %arg9[%parallel_loop3A_191] {strides = array<i32>} : memref<16384xi32, #tpu.memory_space<vmem>>, vector<16xi32>,
      %parallel_loop3A_193 = tpu.vector_load_idx %arg6[%parallel_loop3A_192] : memref<100000xf32, #tpu.memory_space<vmem>>[vector<16xi32>], vector<16xf32>,
      %parallel_loop3A_194 = arith.constant 4 : i32
      %parallel_loop3A_195 = arith.muli %parallel_loop3A_178, %parallel_loop3A_194 : i32
      %parallel_loop3A_196 = arith.constant 0 : i32
      %parallel_loop3A_197 = arith.addi %parallel_loop3A_195, %parallel_loop3A_196 : i32
      %parallel_loop3A_198 = arith.constant 16 : i32
      %parallel_loop3A_199 = arith.muli %parallel_loop3A_197, %parallel_loop3A_198 : i32
      %parallel_loop3A_200 = arith.index_cast %parallel_loop3A_199 : i32 to index
      %parallel_loop3A_201 = tpu.vector_load %arg7[%parallel_loop3A_200] {strides = array<i32>} : memref<4096xf32, #tpu.memory_space<vmem>>, vector<16xf32>,
      %parallel_loop3A_202 = arith.subf %parallel_loop3A_201, %parallel_loop3A_193 : vector<16xf32>
      %parallel_loop3A_203 = arith.mulf %parallel_loop3A_202, %parallel_loop3A_202 : vector<16xf32>
      %parallel_loop3A_204 = arith.addf %parallel_loop3A_179, %parallel_loop3A_203 : vector<16xf32>
      %parallel_loop3A_205 = arith.constant 4 : i32
      %parallel_loop3A_206 = arith.muli %parallel_loop3A_178, %parallel_loop3A_205 : i32
      %parallel_loop3A_207 = arith.constant 1 : i32
      %parallel_loop3A_208 = arith.addi %parallel_loop3A_206, %parallel_loop3A_207 : i32
      %parallel_loop3A_209 = arith.constant 16 : i32
      %parallel_loop3A_210 = arith.muli %parallel_loop3A_208, %parallel_loop3A_209 : i32
      %parallel_loop3A_211 = arith.constant 0 : i32
      %parallel_loop3A_212 = arith.addi %parallel_loop3A_211, %parallel_loop3A_210 : i32
      %parallel_loop3A_213 = arith.index_cast %parallel_loop3A_212 : i32 to index
      %parallel_loop3A_214 = tpu.vector_load %arg9[%parallel_loop3A_213] {strides = array<i32>} : memref<16384xi32, #tpu.memory_space<vmem>>, vector<16xi32>,
      %parallel_loop3A_215 = tpu.vector_load_idx %arg6[%parallel_loop3A_214] : memref<100000xf32, #tpu.memory_space<vmem>>[vector<16xi32>], vector<16xf32>,
      %parallel_loop3A_216 = arith.constant 4 : i32
      %parallel_loop3A_217 = arith.muli %parallel_loop3A_178, %parallel_loop3A_216 : i32
      %parallel_loop3A_218 = arith.constant 1 : i32
      %parallel_loop3A_219 = arith.addi %parallel_loop3A_217, %parallel_loop3A_218 : i32
      %parallel_loop3A_220 = arith.constant 16 : i32
      %parallel_loop3A_221 = arith.muli %parallel_loop3A_219, %parallel_loop3A_220 : i32
      %parallel_loop3A_222 = arith.index_cast %parallel_loop3A_221 : i32 to index
      %parallel_loop3A_223 = tpu.vector_load %arg7[%parallel_loop3A_222] {strides = array<i32>} : memref<4096xf32, #tpu.memory_space<vmem>>, vector<16xf32>,
      %parallel_loop3A_224 = arith.subf %parallel_loop3A_223, %parallel_loop3A_215 : vector<16xf32>
      %parallel_loop3A_225 = arith.mulf %parallel_loop3A_224, %parallel_loop3A_224 : vector<16xf32>
      %parallel_loop3A_226 = arith.addf %parallel_loop3A_180, %parallel_loop3A_225 : vector<16xf32>
      %parallel_loop3A_227 = arith.constant 4 : i32
      %parallel_loop3A_228 = arith.muli %parallel_loop3A_178, %parallel_loop3A_227 : i32
      %parallel_loop3A_229 = arith.constant 2 : i32
      %parallel_loop3A_230 = arith.addi %parallel_loop3A_228, %parallel_loop3A_229 : i32
      %parallel_loop3A_231 = arith.constant 16 : i32
      %parallel_loop3A_232 = arith.muli %parallel_loop3A_230, %parallel_loop3A_231 : i32
      %parallel_loop3A_233 = arith.constant 0 : i32
      %parallel_loop3A_234 = arith.addi %parallel_loop3A_233, %parallel_loop3A_232 : i32
      %parallel_loop3A_235 = arith.index_cast %parallel_loop3A_234 : i32 to index
      %parallel_loop3A_236 = tpu.vector_load %arg9[%parallel_loop3A_235] {strides = array<i32>} : memref<16384xi32, #tpu.memory_space<vmem>>, vector<16xi32>,
      %parallel_loop3A_237 = tpu.vector_load_idx %arg6[%parallel_loop3A_236] : memref<100000xf32, #tpu.memory_space<vmem>>[vector<16xi32>], vector<16xf32>,
      %parallel_loop3A_238 = arith.constant 4 : i32
      %parallel_loop3A_239 = arith.muli %parallel_loop3A_178, %parallel_loop3A_238 : i32
      %parallel_loop3A_240 = arith.constant 2 : i32
      %parallel_loop3A_241 = arith.addi %parallel_loop3A_239, %parallel_loop3A_240 : i32
      %parallel_loop3A_242 = arith.constant 16 : i32
      %parallel_loop3A_243 = arith.muli %parallel_loop3A_241, %parallel_loop3A_242 : i32
      %parallel_loop3A_244 = arith.index_cast %parallel_loop3A_243 : i32 to index
      %parallel_loop3A_245 = tpu.vector_load %arg7[%parallel_loop3A_244] {strides = array<i32>} : memref<4096xf32, #tpu.memory_space<vmem>>, vector<16xf32>,
      %parallel_loop3A_246 = arith.subf %parallel_loop3A_245, %parallel_loop3A_237 : vector<16xf32>
      %parallel_loop3A_247 = arith.mulf %parallel_loop3A_246, %parallel_loop3A_246 : vector<16xf32>
      %parallel_loop3A_248 = arith.addf %parallel_loop3A_181, %parallel_loop3A_247 : vector<16xf32>
      %parallel_loop3A_249 = arith.constant 4 : i32
      %parallel_loop3A_250 = arith.muli %parallel_loop3A_178, %parallel_loop3A_249 : i32
      %parallel_loop3A_251 = arith.constant 3 : i32
      %parallel_loop3A_252 = arith.addi %parallel_loop3A_250, %parallel_loop3A_251 : i32
      %parallel_loop3A_253 = arith.constant 16 : i32
      %parallel_loop3A_254 = arith.muli %parallel_loop3A_252, %parallel_loop3A_253 : i32
      %parallel_loop3A_255 = arith.constant 0 : i32
      %parallel_loop3A_256 = arith.addi %parallel_loop3A_255, %parallel_loop3A_254 : i32
      %parallel_loop3A_257 = arith.index_cast %parallel_loop3A_256 : i32 to index
      %parallel_loop3A_258 = tpu.vector_load %arg9[%parallel_loop3A_257] {strides = array<i32>} : memref<16384xi32, #tpu.memory_space<vmem>>, vector<16xi32>,
      %parallel_loop3A_259 = tpu.vector_load_idx %arg6[%parallel_loop3A_258] : memref<100000xf32, #tpu.memory_space<vmem>>[vector<16xi32>], vector<16xf32>,
      %parallel_loop3A_260 = arith.constant 4 : i32
      %parallel_loop3A_261 = arith.muli %parallel_loop3A_178, %parallel_loop3A_260 : i32
      %parallel_loop3A_262 = arith.constant 3 : i32
      %parallel_loop3A_263 = arith.addi %parallel_loop3A_261, %parallel_loop3A_262 : i32
      %parallel_loop3A_264 = arith.constant 16 : i32
      %parallel_loop3A_265 = arith.muli %parallel_loop3A_263, %parallel_loop3A_264 : i32
      %parallel_loop3A_266 = arith.index_cast %parallel_loop3A_265 : i32 to index
      %parallel_loop3A_267 = tpu.vector_load %arg7[%parallel_loop3A_266] {strides = array<i32>} : memref<4096xf32, #tpu.memory_space<vmem>>, vector<16xf32>,
      %parallel_loop3A_268 = arith.subf %parallel_loop3A_267, %parallel_loop3A_259 : vector<16xf32>
      %parallel_loop3A_269 = arith.mulf %parallel_loop3A_268, %parallel_loop3A_268 : vector<16xf32>
      %parallel_loop3A_270 = arith.addf %parallel_loop3A_182, %parallel_loop3A_269 : vector<16xf32>
      scf.yield %parallel_loop3A_204, %parallel_loop3A_226, %parallel_loop3A_248, %parallel_loop3A_270 : vector<16xf32>, vector<16xf32>, vector<16xf32>, vector<16xf32>
    } {sc.loop_unroll_factor = 1 : i64, sc.parallel_access}
    %add3A_125 = arith.constant 32 : i32
    %add3A_126 = arith.addi %add3A_125, %add3A : i32
    %dma_start3A_127 = arith.constant 8192 : i32
    %dma_start3A_128 = tpu.memref_slice %arg2[%add3A_126, %dma_start3A_127] : memref<64x16384xf32, #tpu.memory_space<hbm>> -> memref<1x4096xf32, #tpu.memory_space<hbm>>
    %dma_start3A_129 = tpu.memref_squeeze %dma_start3A_128 : memref<1x4096xf32, #tpu.memory_space<hbm>> -> memref<4096xf32, #tpu.memory_space<hbm>>
    %dma_start3A_130 = arith.constant 8192 : i32
    %dma_start3A_131 = tpu.memref_slice %arg2[%add3A_126, %dma_start3A_130] : memref<64x16384xf32, #tpu.memory_space<hbm>> -> memref<1x4096xf32, #tpu.memory_space<hbm>>
    %dma_start3A_132 = tpu.memref_squeeze %dma_start3A_131 : memref<1x4096xf32, #tpu.memory_space<hbm>> -> memref<4096xf32, #tpu.memory_space<hbm>>
    tpu.enqueue_dma source(%dma_start3A_132 : memref<4096xf32, #tpu.memory_space<hbm>>) target(%arg7 : memref<4096xf32, #tpu.memory_space<vmem>>) target_semaphore(%arg12 : memref<!tpu.dma_semaphore, #tpu.memory_space<semaphore_mem>>)
    %dma_wait3A_133 = arith.constant 4096 : i32
    %dma_wait3A_134 = tpu.memref_slice %arg2[%add3A_108, %dma_wait3A_133] : memref<64x16384xf32, #tpu.memory_space<hbm>> -> memref<1x4096xf32, #tpu.memory_space<hbm>>
    %dma_wait3A_135 = tpu.memref_squeeze %dma_wait3A_134 : memref<1x4096xf32, #tpu.memory_space<hbm>> -> memref<4096xf32, #tpu.memory_space<hbm>>
    %dma_wait3A_136 = arith.constant 4096 : i32
    %dma_wait3A_137 = tpu.memref_slice %arg2[%add3A_108, %dma_wait3A_136] : memref<64x16384xf32, #tpu.memory_space<hbm>> -> memref<1x4096xf32, #tpu.memory_space<hbm>>
    %dma_wait3A_138 = tpu.memref_squeeze %dma_wait3A_137 : memref<1x4096xf32, #tpu.memory_space<hbm>> -> memref<4096xf32, #tpu.memory_space<hbm>>
    tpu.wait_dma2 semaphore(%arg13 : memref<!tpu.dma_semaphore, #tpu.memory_space<semaphore_mem>>) src(%dma_wait3A_138 : memref<4096xf32, #tpu.memory_space<hbm>>) dst(%arg8 : memref<4096xf32, #tpu.memory_space<vmem>>)
    %parallel_loop3A_139 = arith.constant 0 : i32
    %parallel_loop3A_140 = arith.constant 64 : i32
    %parallel_loop3A_141 = arith.constant 1 : i32
    %parallel_loop3A_142:4 = scf.for %parallel_loop3A_178 = %parallel_loop3A_139 to %parallel_loop3A_140 step %parallel_loop3A_141 iter_args(%parallel_loop3A_179 = %parallel_loop3A_124#0, %parallel_loop3A_180 = %parallel_loop3A_124#1, %parallel_loop3A_181 = %parallel_loop3A_124#2, %parallel_loop3A_182 = %parallel_loop3A_124#3) -> (vector<16xf32>, vector<16xf32>, vector<16xf32>, vector<16xf32>)  : i32 {
      %parallel_loop3A_183 = arith.constant 4 : i32
      %parallel_loop3A_184 = arith.muli %parallel_loop3A_178, %parallel_loop3A_183 : i32
      %parallel_loop3A_185 = arith.constant 0 : i32
      %parallel_loop3A_186 = arith.addi %parallel_loop3A_184, %parallel_loop3A_185 : i32
      %parallel_loop3A_187 = arith.constant 16 : i32
      %parallel_loop3A_188 = arith.muli %parallel_loop3A_186, %parallel_loop3A_187 : i32
      %parallel_loop3A_189 = arith.constant 4096 : i32
      %parallel_loop3A_190 = arith.addi %parallel_loop3A_189, %parallel_loop3A_188 : i32
      %parallel_loop3A_191 = arith.index_cast %parallel_loop3A_190 : i32 to index
      %parallel_loop3A_192 = tpu.vector_load %arg9[%parallel_loop3A_191] {strides = array<i32>} : memref<16384xi32, #tpu.memory_space<vmem>>, vector<16xi32>,
      %parallel_loop3A_193 = tpu.vector_load_idx %arg6[%parallel_loop3A_192] : memref<100000xf32, #tpu.memory_space<vmem>>[vector<16xi32>], vector<16xf32>,
      %parallel_loop3A_194 = arith.constant 4 : i32
      %parallel_loop3A_195 = arith.muli %parallel_loop3A_178, %parallel_loop3A_194 : i32
      %parallel_loop3A_196 = arith.constant 0 : i32
      %parallel_loop3A_197 = arith.addi %parallel_loop3A_195, %parallel_loop3A_196 : i32
      %parallel_loop3A_198 = arith.constant 16 : i32
      %parallel_loop3A_199 = arith.muli %parallel_loop3A_197, %parallel_loop3A_198 : i32
      %parallel_loop3A_200 = arith.index_cast %parallel_loop3A_199 : i32 to index
      %parallel_loop3A_201 = tpu.vector_load %arg8[%parallel_loop3A_200] {strides = array<i32>} : memref<4096xf32, #tpu.memory_space<vmem>>, vector<16xf32>,
      %parallel_loop3A_202 = arith.subf %parallel_loop3A_201, %parallel_loop3A_193 : vector<16xf32>
      %parallel_loop3A_203 = arith.mulf %parallel_loop3A_202, %parallel_loop3A_202 : vector<16xf32>
      %parallel_loop3A_204 = arith.addf %parallel_loop3A_179, %parallel_loop3A_203 : vector<16xf32>
      %parallel_loop3A_205 = arith.constant 4 : i32
      %parallel_loop3A_206 = arith.muli %parallel_loop3A_178, %parallel_loop3A_205 : i32
      %parallel_loop3A_207 = arith.constant 1 : i32
      %parallel_loop3A_208 = arith.addi %parallel_loop3A_206, %parallel_loop3A_207 : i32
      %parallel_loop3A_209 = arith.constant 16 : i32
      %parallel_loop3A_210 = arith.muli %parallel_loop3A_208, %parallel_loop3A_209 : i32
      %parallel_loop3A_211 = arith.constant 4096 : i32
      %parallel_loop3A_212 = arith.addi %parallel_loop3A_211, %parallel_loop3A_210 : i32
      %parallel_loop3A_213 = arith.index_cast %parallel_loop3A_212 : i32 to index
      %parallel_loop3A_214 = tpu.vector_load %arg9[%parallel_loop3A_213] {strides = array<i32>} : memref<16384xi32, #tpu.memory_space<vmem>>, vector<16xi32>,
      %parallel_loop3A_215 = tpu.vector_load_idx %arg6[%parallel_loop3A_214] : memref<100000xf32, #tpu.memory_space<vmem>>[vector<16xi32>], vector<16xf32>,
      %parallel_loop3A_216 = arith.constant 4 : i32
      %parallel_loop3A_217 = arith.muli %parallel_loop3A_178, %parallel_loop3A_216 : i32
      %parallel_loop3A_218 = arith.constant 1 : i32
      %parallel_loop3A_219 = arith.addi %parallel_loop3A_217, %parallel_loop3A_218 : i32
      %parallel_loop3A_220 = arith.constant 16 : i32
      %parallel_loop3A_221 = arith.muli %parallel_loop3A_219, %parallel_loop3A_220 : i32
      %parallel_loop3A_222 = arith.index_cast %parallel_loop3A_221 : i32 to index
      %parallel_loop3A_223 = tpu.vector_load %arg8[%parallel_loop3A_222] {strides = array<i32>} : memref<4096xf32, #tpu.memory_space<vmem>>, vector<16xf32>,
      %parallel_loop3A_224 = arith.subf %parallel_loop3A_223, %parallel_loop3A_215 : vector<16xf32>
      %parallel_loop3A_225 = arith.mulf %parallel_loop3A_224, %parallel_loop3A_224 : vector<16xf32>
      %parallel_loop3A_226 = arith.addf %parallel_loop3A_180, %parallel_loop3A_225 : vector<16xf32>
      %parallel_loop3A_227 = arith.constant 4 : i32
      %parallel_loop3A_228 = arith.muli %parallel_loop3A_178, %parallel_loop3A_227 : i32
      %parallel_loop3A_229 = arith.constant 2 : i32
      %parallel_loop3A_230 = arith.addi %parallel_loop3A_228, %parallel_loop3A_229 : i32
      %parallel_loop3A_231 = arith.constant 16 : i32
      %parallel_loop3A_232 = arith.muli %parallel_loop3A_230, %parallel_loop3A_231 : i32
      %parallel_loop3A_233 = arith.constant 4096 : i32
      %parallel_loop3A_234 = arith.addi %parallel_loop3A_233, %parallel_loop3A_232 : i32
      %parallel_loop3A_235 = arith.index_cast %parallel_loop3A_234 : i32 to index
      %parallel_loop3A_236 = tpu.vector_load %arg9[%parallel_loop3A_235] {strides = array<i32>} : memref<16384xi32, #tpu.memory_space<vmem>>, vector<16xi32>,
      %parallel_loop3A_237 = tpu.vector_load_idx %arg6[%parallel_loop3A_236] : memref<100000xf32, #tpu.memory_space<vmem>>[vector<16xi32>], vector<16xf32>,
      %parallel_loop3A_238 = arith.constant 4 : i32
      %parallel_loop3A_239 = arith.muli %parallel_loop3A_178, %parallel_loop3A_238 : i32
      %parallel_loop3A_240 = arith.constant 2 : i32
      %parallel_loop3A_241 = arith.addi %parallel_loop3A_239, %parallel_loop3A_240 : i32
      %parallel_loop3A_242 = arith.constant 16 : i32
      %parallel_loop3A_243 = arith.muli %parallel_loop3A_241, %parallel_loop3A_242 : i32
      %parallel_loop3A_244 = arith.index_cast %parallel_loop3A_243 : i32 to index
      %parallel_loop3A_245 = tpu.vector_load %arg8[%parallel_loop3A_244] {strides = array<i32>} : memref<4096xf32, #tpu.memory_space<vmem>>, vector<16xf32>,
      %parallel_loop3A_246 = arith.subf %parallel_loop3A_245, %parallel_loop3A_237 : vector<16xf32>
      %parallel_loop3A_247 = arith.mulf %parallel_loop3A_246, %parallel_loop3A_246 : vector<16xf32>
      %parallel_loop3A_248 = arith.addf %parallel_loop3A_181, %parallel_loop3A_247 : vector<16xf32>
      %parallel_loop3A_249 = arith.constant 4 : i32
      %parallel_loop3A_250 = arith.muli %parallel_loop3A_178, %parallel_loop3A_249 : i32
      %parallel_loop3A_251 = arith.constant 3 : i32
      %parallel_loop3A_252 = arith.addi %parallel_loop3A_250, %parallel_loop3A_251 : i32
      %parallel_loop3A_253 = arith.constant 16 : i32
      %parallel_loop3A_254 = arith.muli %parallel_loop3A_252, %parallel_loop3A_253 : i32
      %parallel_loop3A_255 = arith.constant 4096 : i32
      %parallel_loop3A_256 = arith.addi %parallel_loop3A_255, %parallel_loop3A_254 : i32
      %parallel_loop3A_257 = arith.index_cast %parallel_loop3A_256 : i32 to index
      %parallel_loop3A_258 = tpu.vector_load %arg9[%parallel_loop3A_257] {strides = array<i32>} : memref<16384xi32, #tpu.memory_space<vmem>>, vector<16xi32>,
      %parallel_loop3A_259 = tpu.vector_load_idx %arg6[%parallel_loop3A_258] : memref<100000xf32, #tpu.memory_space<vmem>>[vector<16xi32>], vector<16xf32>,
      %parallel_loop3A_260 = arith.constant 4 : i32
      %parallel_loop3A_261 = arith.muli %parallel_loop3A_178, %parallel_loop3A_260 : i32
      %parallel_loop3A_262 = arith.constant 3 : i32
      %parallel_loop3A_263 = arith.addi %parallel_loop3A_261, %parallel_loop3A_262 : i32
      %parallel_loop3A_264 = arith.constant 16 : i32
      %parallel_loop3A_265 = arith.muli %parallel_loop3A_263, %parallel_loop3A_264 : i32
      %parallel_loop3A_266 = arith.index_cast %parallel_loop3A_265 : i32 to index
      %parallel_loop3A_267 = tpu.vector_load %arg8[%parallel_loop3A_266] {strides = array<i32>} : memref<4096xf32, #tpu.memory_space<vmem>>, vector<16xf32>,
      %parallel_loop3A_268 = arith.subf %parallel_loop3A_267, %parallel_loop3A_259 : vector<16xf32>
      %parallel_loop3A_269 = arith.mulf %parallel_loop3A_268, %parallel_loop3A_268 : vector<16xf32>
      %parallel_loop3A_270 = arith.addf %parallel_loop3A_182, %parallel_loop3A_269 : vector<16xf32>
      scf.yield %parallel_loop3A_204, %parallel_loop3A_226, %parallel_loop3A_248, %parallel_loop3A_270 : vector<16xf32>, vector<16xf32>, vector<16xf32>, vector<16xf32>
    } {sc.loop_unroll_factor = 1 : i64, sc.parallel_access}
    %add3A_143 = arith.constant 32 : i32
    %add3A_144 = arith.addi %add3A_143, %add3A : i32
    %dma_start3A_145 = arith.constant 12288 : i32
    %dma_start3A_146 = tpu.memref_slice %arg2[%add3A_144, %dma_start3A_145] : memref<64x16384xf32, #tpu.memory_space<hbm>> -> memref<1x4096xf32, #tpu.memory_space<hbm>>
    %dma_start3A_147 = tpu.memref_squeeze %dma_start3A_146 : memref<1x4096xf32, #tpu.memory_space<hbm>> -> memref<4096xf32, #tpu.memory_space<hbm>>
    %dma_start3A_148 = arith.constant 12288 : i32
    %dma_start3A_149 = tpu.memref_slice %arg2[%add3A_144, %dma_start3A_148] : memref<64x16384xf32, #tpu.memory_space<hbm>> -> memref<1x4096xf32, #tpu.memory_space<hbm>>
    %dma_start3A_150 = tpu.memref_squeeze %dma_start3A_149 : memref<1x4096xf32, #tpu.memory_space<hbm>> -> memref<4096xf32, #tpu.memory_space<hbm>>
    tpu.enqueue_dma source(%dma_start3A_150 : memref<4096xf32, #tpu.memory_space<hbm>>) target(%arg8 : memref<4096xf32, #tpu.memory_space<vmem>>) target_semaphore(%arg13 : memref<!tpu.dma_semaphore, #tpu.memory_space<semaphore_mem>>)
    %dma_wait3A_151 = arith.constant 8192 : i32
    %dma_wait3A_152 = tpu.memref_slice %arg2[%add3A_126, %dma_wait3A_151] : memref<64x16384xf32, #tpu.memory_space<hbm>> -> memref<1x4096xf32, #tpu.memory_space<hbm>>
    %dma_wait3A_153 = tpu.memref_squeeze %dma_wait3A_152 : memref<1x4096xf32, #tpu.memory_space<hbm>> -> memref<4096xf32, #tpu.memory_space<hbm>>
    %dma_wait3A_154 = arith.constant 8192 : i32
    %dma_wait3A_155 = tpu.memref_slice %arg2[%add3A_126, %dma_wait3A_154] : memref<64x16384xf32, #tpu.memory_space<hbm>> -> memref<1x4096xf32, #tpu.memory_space<hbm>>
    %dma_wait3A_156 = tpu.memref_squeeze %dma_wait3A_155 : memref<1x4096xf32, #tpu.memory_space<hbm>> -> memref<4096xf32, #tpu.memory_space<hbm>>
    tpu.wait_dma2 semaphore(%arg12 : memref<!tpu.dma_semaphore, #tpu.memory_space<semaphore_mem>>) src(%dma_wait3A_156 : memref<4096xf32, #tpu.memory_space<hbm>>) dst(%arg7 : memref<4096xf32, #tpu.memory_space<vmem>>)
    %parallel_loop3A_157 = arith.constant 0 : i32
    %parallel_loop3A_158 = arith.constant 64 : i32
    %parallel_loop3A_159 = arith.constant 1 : i32
    %parallel_loop3A_160:4 = scf.for %parallel_loop3A_178 = %parallel_loop3A_157 to %parallel_loop3A_158 step %parallel_loop3A_159 iter_args(%parallel_loop3A_179 = %parallel_loop3A_142#0, %parallel_loop3A_180 = %parallel_loop3A_142#1, %parallel_loop3A_181 = %parallel_loop3A_142#2, %parallel_loop3A_182 = %parallel_loop3A_142#3) -> (vector<16xf32>, vector<16xf32>, vector<16xf32>, vector<16xf32>)  : i32 {
      %parallel_loop3A_183 = arith.constant 4 : i32
      %parallel_loop3A_184 = arith.muli %parallel_loop3A_178, %parallel_loop3A_183 : i32
      %parallel_loop3A_185 = arith.constant 0 : i32
      %parallel_loop3A_186 = arith.addi %parallel_loop3A_184, %parallel_loop3A_185 : i32
      %parallel_loop3A_187 = arith.constant 16 : i32
      %parallel_loop3A_188 = arith.muli %parallel_loop3A_186, %parallel_loop3A_187 : i32
      %parallel_loop3A_189 = arith.constant 8192 : i32
      %parallel_loop3A_190 = arith.addi %parallel_loop3A_189, %parallel_loop3A_188 : i32
      %parallel_loop3A_191 = arith.index_cast %parallel_loop3A_190 : i32 to index
      %parallel_loop3A_192 = tpu.vector_load %arg9[%parallel_loop3A_191] {strides = array<i32>} : memref<16384xi32, #tpu.memory_space<vmem>>, vector<16xi32>,
      %parallel_loop3A_193 = tpu.vector_load_idx %arg6[%parallel_loop3A_192] : memref<100000xf32, #tpu.memory_space<vmem>>[vector<16xi32>], vector<16xf32>,
      %parallel_loop3A_194 = arith.constant 4 : i32
      %parallel_loop3A_195 = arith.muli %parallel_loop3A_178, %parallel_loop3A_194 : i32
      %parallel_loop3A_196 = arith.constant 0 : i32
      %parallel_loop3A_197 = arith.addi %parallel_loop3A_195, %parallel_loop3A_196 : i32
      %parallel_loop3A_198 = arith.constant 16 : i32
      %parallel_loop3A_199 = arith.muli %parallel_loop3A_197, %parallel_loop3A_198 : i32
      %parallel_loop3A_200 = arith.index_cast %parallel_loop3A_199 : i32 to index
      %parallel_loop3A_201 = tpu.vector_load %arg7[%parallel_loop3A_200] {strides = array<i32>} : memref<4096xf32, #tpu.memory_space<vmem>>, vector<16xf32>,
      %parallel_loop3A_202 = arith.subf %parallel_loop3A_201, %parallel_loop3A_193 : vector<16xf32>
      %parallel_loop3A_203 = arith.mulf %parallel_loop3A_202, %parallel_loop3A_202 : vector<16xf32>
      %parallel_loop3A_204 = arith.addf %parallel_loop3A_179, %parallel_loop3A_203 : vector<16xf32>
      %parallel_loop3A_205 = arith.constant 4 : i32
      %parallel_loop3A_206 = arith.muli %parallel_loop3A_178, %parallel_loop3A_205 : i32
      %parallel_loop3A_207 = arith.constant 1 : i32
      %parallel_loop3A_208 = arith.addi %parallel_loop3A_206, %parallel_loop3A_207 : i32
      %parallel_loop3A_209 = arith.constant 16 : i32
      %parallel_loop3A_210 = arith.muli %parallel_loop3A_208, %parallel_loop3A_209 : i32
      %parallel_loop3A_211 = arith.constant 8192 : i32
      %parallel_loop3A_212 = arith.addi %parallel_loop3A_211, %parallel_loop3A_210 : i32
      %parallel_loop3A_213 = arith.index_cast %parallel_loop3A_212 : i32 to index
      %parallel_loop3A_214 = tpu.vector_load %arg9[%parallel_loop3A_213] {strides = array<i32>} : memref<16384xi32, #tpu.memory_space<vmem>>, vector<16xi32>,
      %parallel_loop3A_215 = tpu.vector_load_idx %arg6[%parallel_loop3A_214] : memref<100000xf32, #tpu.memory_space<vmem>>[vector<16xi32>], vector<16xf32>,
      %parallel_loop3A_216 = arith.constant 4 : i32
      %parallel_loop3A_217 = arith.muli %parallel_loop3A_178, %parallel_loop3A_216 : i32
      %parallel_loop3A_218 = arith.constant 1 : i32
      %parallel_loop3A_219 = arith.addi %parallel_loop3A_217, %parallel_loop3A_218 : i32
      %parallel_loop3A_220 = arith.constant 16 : i32
      %parallel_loop3A_221 = arith.muli %parallel_loop3A_219, %parallel_loop3A_220 : i32
      %parallel_loop3A_222 = arith.index_cast %parallel_loop3A_221 : i32 to index
      %parallel_loop3A_223 = tpu.vector_load %arg7[%parallel_loop3A_222] {strides = array<i32>} : memref<4096xf32, #tpu.memory_space<vmem>>, vector<16xf32>,
      %parallel_loop3A_224 = arith.subf %parallel_loop3A_223, %parallel_loop3A_215 : vector<16xf32>
      %parallel_loop3A_225 = arith.mulf %parallel_loop3A_224, %parallel_loop3A_224 : vector<16xf32>
      %parallel_loop3A_226 = arith.addf %parallel_loop3A_180, %parallel_loop3A_225 : vector<16xf32>
      %parallel_loop3A_227 = arith.constant 4 : i32
      %parallel_loop3A_228 = arith.muli %parallel_loop3A_178, %parallel_loop3A_227 : i32
      %parallel_loop3A_229 = arith.constant 2 : i32
      %parallel_loop3A_230 = arith.addi %parallel_loop3A_228, %parallel_loop3A_229 : i32
      %parallel_loop3A_231 = arith.constant 16 : i32
      %parallel_loop3A_232 = arith.muli %parallel_loop3A_230, %parallel_loop3A_231 : i32
      %parallel_loop3A_233 = arith.constant 8192 : i32
      %parallel_loop3A_234 = arith.addi %parallel_loop3A_233, %parallel_loop3A_232 : i32
      %parallel_loop3A_235 = arith.index_cast %parallel_loop3A_234 : i32 to index
      %parallel_loop3A_236 = tpu.vector_load %arg9[%parallel_loop3A_235] {strides = array<i32>} : memref<16384xi32, #tpu.memory_space<vmem>>, vector<16xi32>,
      %parallel_loop3A_237 = tpu.vector_load_idx %arg6[%parallel_loop3A_236] : memref<100000xf32, #tpu.memory_space<vmem>>[vector<16xi32>], vector<16xf32>,
      %parallel_loop3A_238 = arith.constant 4 : i32
      %parallel_loop3A_239 = arith.muli %parallel_loop3A_178, %parallel_loop3A_238 : i32
      %parallel_loop3A_240 = arith.constant 2 : i32
      %parallel_loop3A_241 = arith.addi %parallel_loop3A_239, %parallel_loop3A_240 : i32
      %parallel_loop3A_242 = arith.constant 16 : i32
      %parallel_loop3A_243 = arith.muli %parallel_loop3A_241, %parallel_loop3A_242 : i32
      %parallel_loop3A_244 = arith.index_cast %parallel_loop3A_243 : i32 to index
      %parallel_loop3A_245 = tpu.vector_load %arg7[%parallel_loop3A_244] {strides = array<i32>} : memref<4096xf32, #tpu.memory_space<vmem>>, vector<16xf32>,
      %parallel_loop3A_246 = arith.subf %parallel_loop3A_245, %parallel_loop3A_237 : vector<16xf32>
      %parallel_loop3A_247 = arith.mulf %parallel_loop3A_246, %parallel_loop3A_246 : vector<16xf32>
      %parallel_loop3A_248 = arith.addf %parallel_loop3A_181, %parallel_loop3A_247 : vector<16xf32>
      %parallel_loop3A_249 = arith.constant 4 : i32
      %parallel_loop3A_250 = arith.muli %parallel_loop3A_178, %parallel_loop3A_249 : i32
      %parallel_loop3A_251 = arith.constant 3 : i32
      %parallel_loop3A_252 = arith.addi %parallel_loop3A_250, %parallel_loop3A_251 : i32
      %parallel_loop3A_253 = arith.constant 16 : i32
      %parallel_loop3A_254 = arith.muli %parallel_loop3A_252, %parallel_loop3A_253 : i32
      %parallel_loop3A_255 = arith.constant 8192 : i32
      %parallel_loop3A_256 = arith.addi %parallel_loop3A_255, %parallel_loop3A_254 : i32
      %parallel_loop3A_257 = arith.index_cast %parallel_loop3A_256 : i32 to index
      %parallel_loop3A_258 = tpu.vector_load %arg9[%parallel_loop3A_257] {strides = array<i32>} : memref<16384xi32, #tpu.memory_space<vmem>>, vector<16xi32>,
      %parallel_loop3A_259 = tpu.vector_load_idx %arg6[%parallel_loop3A_258] : memref<100000xf32, #tpu.memory_space<vmem>>[vector<16xi32>], vector<16xf32>,
      %parallel_loop3A_260 = arith.constant 4 : i32
      %parallel_loop3A_261 = arith.muli %parallel_loop3A_178, %parallel_loop3A_260 : i32
      %parallel_loop3A_262 = arith.constant 3 : i32
      %parallel_loop3A_263 = arith.addi %parallel_loop3A_261, %parallel_loop3A_262 : i32
      %parallel_loop3A_264 = arith.constant 16 : i32
      %parallel_loop3A_265 = arith.muli %parallel_loop3A_263, %parallel_loop3A_264 : i32
      %parallel_loop3A_266 = arith.index_cast %parallel_loop3A_265 : i32 to index
      %parallel_loop3A_267 = tpu.vector_load %arg7[%parallel_loop3A_266] {strides = array<i32>} : memref<4096xf32, #tpu.memory_space<vmem>>, vector<16xf32>,
      %parallel_loop3A_268 = arith.subf %parallel_loop3A_267, %parallel_loop3A_259 : vector<16xf32>
      %parallel_loop3A_269 = arith.mulf %parallel_loop3A_268, %parallel_loop3A_268 : vector<16xf32>
      %parallel_loop3A_270 = arith.addf %parallel_loop3A_182, %parallel_loop3A_269 : vector<16xf32>
      scf.yield %parallel_loop3A_204, %parallel_loop3A_226, %parallel_loop3A_248, %parallel_loop3A_270 : vector<16xf32>, vector<16xf32>, vector<16xf32>, vector<16xf32>
    } {sc.loop_unroll_factor = 1 : i64, sc.parallel_access}
    %dma_wait3A_161 = arith.constant 12288 : i32
    %dma_wait3A_162 = tpu.memref_slice %arg2[%add3A_144, %dma_wait3A_161] : memref<64x16384xf32, #tpu.memory_space<hbm>> -> memref<1x4096xf32, #tpu.memory_space<hbm>>
    %dma_wait3A_163 = tpu.memref_squeeze %dma_wait3A_162 : memref<1x4096xf32, #tpu.memory_space<hbm>> -> memref<4096xf32, #tpu.memory_space<hbm>>
    %dma_wait3A_164 = arith.constant 12288 : i32
    %dma_wait3A_165 = tpu.memref_slice %arg2[%add3A_144, %dma_wait3A_164] : memref<64x16384xf32, #tpu.memory_space<hbm>> -> memref<1x4096xf32, #tpu.memory_space<hbm>>
    %dma_wait3A_166 = tpu.memref_squeeze %dma_wait3A_165 : memref<1x4096xf32, #tpu.memory_space<hbm>> -> memref<4096xf32, #tpu.memory_space<hbm>>
    tpu.wait_dma2 semaphore(%arg13 : memref<!tpu.dma_semaphore, #tpu.memory_space<semaphore_mem>>) src(%dma_wait3A_166 : memref<4096xf32, #tpu.memory_space<hbm>>) dst(%arg8 : memref<4096xf32, #tpu.memory_space<vmem>>)
    %parallel_loop3A_167 = arith.constant 0 : i32
    %parallel_loop3A_168 = arith.constant 64 : i32
    %parallel_loop3A_169 = arith.constant 1 : i32
    %parallel_loop3A_170:4 = scf.for %parallel_loop3A_178 = %parallel_loop3A_167 to %parallel_loop3A_168 step %parallel_loop3A_169 iter_args(%parallel_loop3A_179 = %parallel_loop3A_160#0, %parallel_loop3A_180 = %parallel_loop3A_160#1, %parallel_loop3A_181 = %parallel_loop3A_160#2, %parallel_loop3A_182 = %parallel_loop3A_160#3) -> (vector<16xf32>, vector<16xf32>, vector<16xf32>, vector<16xf32>)  : i32 {
      %parallel_loop3A_183 = arith.constant 4 : i32
      %parallel_loop3A_184 = arith.muli %parallel_loop3A_178, %parallel_loop3A_183 : i32
      %parallel_loop3A_185 = arith.constant 0 : i32
      %parallel_loop3A_186 = arith.addi %parallel_loop3A_184, %parallel_loop3A_185 : i32
      %parallel_loop3A_187 = arith.constant 16 : i32
      %parallel_loop3A_188 = arith.muli %parallel_loop3A_186, %parallel_loop3A_187 : i32
      %parallel_loop3A_189 = arith.constant 12288 : i32
      %parallel_loop3A_190 = arith.addi %parallel_loop3A_189, %parallel_loop3A_188 : i32
      %parallel_loop3A_191 = arith.index_cast %parallel_loop3A_190 : i32 to index
      %parallel_loop3A_192 = tpu.vector_load %arg9[%parallel_loop3A_191] {strides = array<i32>} : memref<16384xi32, #tpu.memory_space<vmem>>, vector<16xi32>,
      %parallel_loop3A_193 = tpu.vector_load_idx %arg6[%parallel_loop3A_192] : memref<100000xf32, #tpu.memory_space<vmem>>[vector<16xi32>], vector<16xf32>,
      %parallel_loop3A_194 = arith.constant 4 : i32
      %parallel_loop3A_195 = arith.muli %parallel_loop3A_178, %parallel_loop3A_194 : i32
      %parallel_loop3A_196 = arith.constant 0 : i32
      %parallel_loop3A_197 = arith.addi %parallel_loop3A_195, %parallel_loop3A_196 : i32
      %parallel_loop3A_198 = arith.constant 16 : i32
      %parallel_loop3A_199 = arith.muli %parallel_loop3A_197, %parallel_loop3A_198 : i32
      %parallel_loop3A_200 = arith.index_cast %parallel_loop3A_199 : i32 to index
      %parallel_loop3A_201 = tpu.vector_load %arg8[%parallel_loop3A_200] {strides = array<i32>} : memref<4096xf32, #tpu.memory_space<vmem>>, vector<16xf32>,
      %parallel_loop3A_202 = arith.subf %parallel_loop3A_201, %parallel_loop3A_193 : vector<16xf32>
      %parallel_loop3A_203 = arith.mulf %parallel_loop3A_202, %parallel_loop3A_202 : vector<16xf32>
      %parallel_loop3A_204 = arith.addf %parallel_loop3A_179, %parallel_loop3A_203 : vector<16xf32>
      %parallel_loop3A_205 = arith.constant 4 : i32
      %parallel_loop3A_206 = arith.muli %parallel_loop3A_178, %parallel_loop3A_205 : i32
      %parallel_loop3A_207 = arith.constant 1 : i32
      %parallel_loop3A_208 = arith.addi %parallel_loop3A_206, %parallel_loop3A_207 : i32
      %parallel_loop3A_209 = arith.constant 16 : i32
      %parallel_loop3A_210 = arith.muli %parallel_loop3A_208, %parallel_loop3A_209 : i32
      %parallel_loop3A_211 = arith.constant 12288 : i32
      %parallel_loop3A_212 = arith.addi %parallel_loop3A_211, %parallel_loop3A_210 : i32
      %parallel_loop3A_213 = arith.index_cast %parallel_loop3A_212 : i32 to index
      %parallel_loop3A_214 = tpu.vector_load %arg9[%parallel_loop3A_213] {strides = array<i32>} : memref<16384xi32, #tpu.memory_space<vmem>>, vector<16xi32>,
      %parallel_loop3A_215 = tpu.vector_load_idx %arg6[%parallel_loop3A_214] : memref<100000xf32, #tpu.memory_space<vmem>>[vector<16xi32>], vector<16xf32>,
      %parallel_loop3A_216 = arith.constant 4 : i32
      %parallel_loop3A_217 = arith.muli %parallel_loop3A_178, %parallel_loop3A_216 : i32
      %parallel_loop3A_218 = arith.constant 1 : i32
      %parallel_loop3A_219 = arith.addi %parallel_loop3A_217, %parallel_loop3A_218 : i32
      %parallel_loop3A_220 = arith.constant 16 : i32
      %parallel_loop3A_221 = arith.muli %parallel_loop3A_219, %parallel_loop3A_220 : i32
      %parallel_loop3A_222 = arith.index_cast %parallel_loop3A_221 : i32 to index
      %parallel_loop3A_223 = tpu.vector_load %arg8[%parallel_loop3A_222] {strides = array<i32>} : memref<4096xf32, #tpu.memory_space<vmem>>, vector<16xf32>,
      %parallel_loop3A_224 = arith.subf %parallel_loop3A_223, %parallel_loop3A_215 : vector<16xf32>
      %parallel_loop3A_225 = arith.mulf %parallel_loop3A_224, %parallel_loop3A_224 : vector<16xf32>
      %parallel_loop3A_226 = arith.addf %parallel_loop3A_180, %parallel_loop3A_225 : vector<16xf32>
      %parallel_loop3A_227 = arith.constant 4 : i32
      %parallel_loop3A_228 = arith.muli %parallel_loop3A_178, %parallel_loop3A_227 : i32
      %parallel_loop3A_229 = arith.constant 2 : i32
      %parallel_loop3A_230 = arith.addi %parallel_loop3A_228, %parallel_loop3A_229 : i32
      %parallel_loop3A_231 = arith.constant 16 : i32
      %parallel_loop3A_232 = arith.muli %parallel_loop3A_230, %parallel_loop3A_231 : i32
      %parallel_loop3A_233 = arith.constant 12288 : i32
      %parallel_loop3A_234 = arith.addi %parallel_loop3A_233, %parallel_loop3A_232 : i32
      %parallel_loop3A_235 = arith.index_cast %parallel_loop3A_234 : i32 to index
      %parallel_loop3A_236 = tpu.vector_load %arg9[%parallel_loop3A_235] {strides = array<i32>} : memref<16384xi32, #tpu.memory_space<vmem>>, vector<16xi32>,
      %parallel_loop3A_237 = tpu.vector_load_idx %arg6[%parallel_loop3A_236] : memref<100000xf32, #tpu.memory_space<vmem>>[vector<16xi32>], vector<16xf32>,
      %parallel_loop3A_238 = arith.constant 4 : i32
      %parallel_loop3A_239 = arith.muli %parallel_loop3A_178, %parallel_loop3A_238 : i32
      %parallel_loop3A_240 = arith.constant 2 : i32
      %parallel_loop3A_241 = arith.addi %parallel_loop3A_239, %parallel_loop3A_240 : i32
      %parallel_loop3A_242 = arith.constant 16 : i32
      %parallel_loop3A_243 = arith.muli %parallel_loop3A_241, %parallel_loop3A_242 : i32
      %parallel_loop3A_244 = arith.index_cast %parallel_loop3A_243 : i32 to index
      %parallel_loop3A_245 = tpu.vector_load %arg8[%parallel_loop3A_244] {strides = array<i32>} : memref<4096xf32, #tpu.memory_space<vmem>>, vector<16xf32>,
      %parallel_loop3A_246 = arith.subf %parallel_loop3A_245, %parallel_loop3A_237 : vector<16xf32>
      %parallel_loop3A_247 = arith.mulf %parallel_loop3A_246, %parallel_loop3A_246 : vector<16xf32>
      %parallel_loop3A_248 = arith.addf %parallel_loop3A_181, %parallel_loop3A_247 : vector<16xf32>
      %parallel_loop3A_249 = arith.constant 4 : i32
      %parallel_loop3A_250 = arith.muli %parallel_loop3A_178, %parallel_loop3A_249 : i32
      %parallel_loop3A_251 = arith.constant 3 : i32
      %parallel_loop3A_252 = arith.addi %parallel_loop3A_250, %parallel_loop3A_251 : i32
      %parallel_loop3A_253 = arith.constant 16 : i32
      %parallel_loop3A_254 = arith.muli %parallel_loop3A_252, %parallel_loop3A_253 : i32
      %parallel_loop3A_255 = arith.constant 12288 : i32
      %parallel_loop3A_256 = arith.addi %parallel_loop3A_255, %parallel_loop3A_254 : i32
      %parallel_loop3A_257 = arith.index_cast %parallel_loop3A_256 : i32 to index
      %parallel_loop3A_258 = tpu.vector_load %arg9[%parallel_loop3A_257] {strides = array<i32>} : memref<16384xi32, #tpu.memory_space<vmem>>, vector<16xi32>,
      %parallel_loop3A_259 = tpu.vector_load_idx %arg6[%parallel_loop3A_258] : memref<100000xf32, #tpu.memory_space<vmem>>[vector<16xi32>], vector<16xf32>,
      %parallel_loop3A_260 = arith.constant 4 : i32
      %parallel_loop3A_261 = arith.muli %parallel_loop3A_178, %parallel_loop3A_260 : i32
      %parallel_loop3A_262 = arith.constant 3 : i32
      %parallel_loop3A_263 = arith.addi %parallel_loop3A_261, %parallel_loop3A_262 : i32
      %parallel_loop3A_264 = arith.constant 16 : i32
      %parallel_loop3A_265 = arith.muli %parallel_loop3A_263, %parallel_loop3A_264 : i32
      %parallel_loop3A_266 = arith.index_cast %parallel_loop3A_265 : i32 to index
      %parallel_loop3A_267 = tpu.vector_load %arg8[%parallel_loop3A_266] {strides = array<i32>} : memref<4096xf32, #tpu.memory_space<vmem>>, vector<16xf32>,
      %parallel_loop3A_268 = arith.subf %parallel_loop3A_267, %parallel_loop3A_259 : vector<16xf32>
      %parallel_loop3A_269 = arith.mulf %parallel_loop3A_268, %parallel_loop3A_268 : vector<16xf32>
      %parallel_loop3A_270 = arith.addf %parallel_loop3A_182, %parallel_loop3A_269 : vector<16xf32>
      scf.yield %parallel_loop3A_204, %parallel_loop3A_226, %parallel_loop3A_248, %parallel_loop3A_270 : vector<16xf32>, vector<16xf32>, vector<16xf32>, vector<16xf32>
    } {sc.loop_unroll_factor = 1 : i64, sc.parallel_access}
    %add3A_171 = arith.addf %parallel_loop3A_170#0, %parallel_loop3A_170#1 : vector<16xf32>
    %add3A_172 = arith.addf %parallel_loop3A_170#2, %parallel_loop3A_170#3 : vector<16xf32>
    %add3A_173 = arith.addf %add3A_171, %add3A_172 : vector<16xf32>
    %mul3A_174 = arith.constant 6.10351563E-5 : f32
    %mul3A_175 = vector.broadcast %mul3A_174 : f32 to vector<16xf32>
    %mul3A_176 = arith.mulf %add3A_173, %mul3A_175 : vector<16xf32>
    %swap3A = arith.constant 0 : index
    %swap3A_177 = tpu.vector_load %arg10[%swap3A] {strides = array<i32>} : memref<16xf32, #tpu.memory_space<vmem>>, vector<16xf32>,
    tpu.vector_store %arg10[%swap3A], %mul3A_176 {strides = array<i32>} : memref<16xf32, #tpu.memory_space<vmem>>, vector<16xf32>,
    "tpu.region"() ({
      %run_scoped3A = tpu.sem_alloc : memref<!tpu.dma_semaphore, #tpu.memory_space<semaphore_mem>>
      %dma_start3A_178 = arith.constant 0 : i32
      %dma_start3A_179 = tpu.memref_slice %arg5[%add3A, %dma_start3A_178] : memref<32x16xf32, #tpu.memory_space<hbm>> -> memref<1x16xf32, #tpu.memory_space<hbm>>
      %dma_start3A_180 = tpu.memref_squeeze %dma_start3A_179 : memref<1x16xf32, #tpu.memory_space<hbm>> -> memref<16xf32, #tpu.memory_space<hbm>>
      %dma_start3A_181 = arith.constant 0 : i32
      %dma_start3A_182 = tpu.memref_slice %arg5[%add3A, %dma_start3A_181] : memref<32x16xf32, #tpu.memory_space<hbm>> -> memref<1x16xf32, #tpu.memory_space<hbm>>
      %dma_start3A_183 = tpu.memref_squeeze %dma_start3A_182 : memref<1x16xf32, #tpu.memory_space<hbm>> -> memref<16xf32, #tpu.memory_space<hbm>>
      tpu.enqueue_dma source(%arg10 : memref<16xf32, #tpu.memory_space<vmem>>) target(%dma_start3A_183 : memref<16xf32, #tpu.memory_space<hbm>>) target_semaphore(%run_scoped3A : memref<!tpu.dma_semaphore, #tpu.memory_space<semaphore_mem>>)
      %dma_wait3A_184 = arith.constant 0 : i32
      %dma_wait3A_185 = tpu.memref_slice %arg5[%add3A, %dma_wait3A_184] : memref<32x16xf32, #tpu.memory_space<hbm>> -> memref<1x16xf32, #tpu.memory_space<hbm>>
      %dma_wait3A_186 = tpu.memref_squeeze %dma_wait3A_185 : memref<1x16xf32, #tpu.memory_space<hbm>> -> memref<16xf32, #tpu.memory_space<hbm>>
      %dma_wait3A_187 = arith.constant 0 : i32
      %dma_wait3A_188 = tpu.memref_slice %arg5[%add3A, %dma_wait3A_187] : memref<32x16xf32, #tpu.memory_space<hbm>> -> memref<1x16xf32, #tpu.memory_space<hbm>>
      %dma_wait3A_189 = tpu.memref_squeeze %dma_wait3A_188 : memref<1x16xf32, #tpu.memory_space<hbm>> -> memref<16xf32, #tpu.memory_space<hbm>>
      tpu.wait_dma2 semaphore(%run_scoped3A : memref<!tpu.dma_semaphore, #tpu.memory_space<semaphore_mem>>) src(%arg10 : memref<16xf32, #tpu.memory_space<vmem>>) dst(%dma_wait3A_189 : memref<16xf32, #tpu.memory_space<hbm>>)
      tpu.yield
    }) : () -> ()
    return
  }
}

</mosaic_0001>

<sc_bundles>
// kernel: kernel.3.cloned.1.call-start
scs
__scs_entry_jumppad:
0x0: {  	(pc) =	sbr.rel $0x88, $3  }
0x1: {  	(tag) =	ssettag $0x0;
	lr =	simm.s32 $0x1  }
0x2: {  	[smem:$0x3F9E] =	sst lr;
	_ =	strace $0xD0000000  }
0x3: {  	_ = 	snop  }
0x4: {  	_ = 	snop  }
0x5: {  	_ = 	snop  }
0x6: {  	_ = 	snop  }
0x7: {  	_ = 	snop  }
__scs_overlays_trampoline_lowered:
0x8: {  	[smem:$0x3FAD] =	sst s0  }
0x9: {  	[smem:$0x3FAE] =	sst s1  }
0xa: {  	[smem:$0x3FAF] =	sst s2  }
0xb: {  	[smem:$0x3FB0] =	sst s3  }
0xc: {  	[smem:$0x3FB1] =	sst s4  }
0xd: {  	[smem:$0x3FB2] =	sst s5  }
0xe: {  	[smem:$0x3FB3] =	sst s6  }
0xf: {  	[smem:$0x3FB4] =	sst s7  }
0x10: {  	[smem:$0x3FB5] =	sst s8  }
0x11: {  	[smem:$0x3FB6] =	sst s9;
	s0 =	simm.s32 @!p0 $0x0  }
0x12: {  	s1 =	sld [smem:$0x3F9C];
	s0 =	simm.s32 @p0 $0x1  }
0x13: {  	[smem:$0x3FB7] =	sst s0;
	s0 =	simm.s32 @!p1 $0x0  }
0x14: {  	s2 =	sld [smem:$0x3F9B];
	s0 =	simm.s32 @p1 $0x1  }
0x15: {  	[smem:$0x3FB8] =	sst s0;
	s0 =	simm.s32 @!p2 $0x0  }
0x16: {  	s3 =	sld [smem:$0x3FDB];
	s0 =	simm.s32 @p2 $0x1  }
0x17: {  	s4 =	simm.s32 $0x1BF5;
	[smem:$0x3FBA] =	sst s0  }
0x18: {  	s0 =	sld [smem:$0x3F9D];
	_ =	swait.ge [sflag:s4], $0x0  }
0x19: {  	s7 =	sld [smem:$0x3F9E]  }
0x1a: {  	s8 =	sadd.s32 $0xFFFFE003, lr  }
0x1b: {  	s9 =	sadd.s32 $0xFFFFFEF7, lr;
	s5 =	simm.s32 $0xFFFFFFFF;
	p2 =	slt.u32 s8, $0xFFFFF086  }
0x1c: {  	p1 =	slt.u32 s9, $0xF7A;
	s5 =	simm.s32 @!p2 $0x0  }
0x1d: {  	s5 =	simm.s32 @p1 $0x1;
	p0 =	seq.s32 s7, s2  }
0x1e: {  	s7 =	smul.u32 @!p0 $0xF7A, s2;
	p2 =	seq.s32 @!p0 s5, $0x0  }
0x1f: {  	s9 =	smul.u32 $0xF7A, s1;
	s8 =	simm.s32 @!p0 $0x1BF5;
	p2 =	por !p2, p0  }
0x20: {  	[sflag:s8] =	ssyncset.s32 @!p0 $0xFFFFF086;
	s6 =	sadd.s32 @!p0 s3, s7;
	s7 =	simm.s32 @!p0 $0x108  }
0x21: {  	s3 =	sadd.s32 s3, s9;
	s6 =	sadd.s32 @!p0 $0x88, s6;
	s7 =	simm.s32 @p2 $0x1082  }
0x22: {  	[simem:s7], [sflag:s8] =	dma.local @!p0 [hbm:s6], $0xF7A  }
0x23: {  	s9 =	sor.u32 $0xD0000000, s2;
	s6 =	simm.s32 $0x108;
	_ =	swait.ge @!p0 [sflag:s8], $0x0  }
0x24: {  	s3 =	sadd.s32 $0x88, s3;
	s6 =	simm.s32 @!p1 $0x1082;
	[sflag:s4] =	ssyncset.s32 $0xFFFFF086  }
0x25: {  	[simem:s6], [sflag:s4] =	dma.local [hbm:s3], $0xF7A  }
0x26: {  	[smem:$0x3F9E] =	sst s1;
	(tag) =	ssettag s2;
	_ =	strace s9  }
0x27: {  	s1 =	sld [smem:$0x3FAE]  }
0x28: {  	s2 =	sld [smem:$0x3FAF]  }
0x29: {  	s4 =	sld [smem:$0x3FB1]  }
0x2a: {  	p0 =	seq.s32 s5, $0x0;
	s5 =	sld [smem:$0x3FB2]  }
0x2b: {  	s6 =	sld [smem:$0x3FB3]  }
0x2c: {  	s7 =	sld [smem:$0x3FB4]  }
0x2d: {  	s3 =	simm.s32 $0x108;
	s8 =	sld [smem:$0x3FB5]  }
0x2e: {  	s3 =	simm.s32 @!p0 $0x1082;
	s9 =	sld [smem:$0x3FB6]  }
0x2f: {  	lr =	sadd.s32 s0, s3;
	s0 =	sld [smem:$0x3FAD]  }
0x30: {  	s3 =	sld [smem:$0x3FB0]  }
0x31: {  	[smem:$0x3FB9] =	sst s10  }
0x32: {  	s10 =	sld [smem:$0x3FB7];
	_ =	sdelay $0x3  }
0x33: {  	p0 =	seq.s32 s10, $0x1;
	s10 =	sld [smem:$0x3FB9];
	_ =	sdelay $0x3  }
0x34: {  	[smem:$0x3FB9] =	sst s10  }
0x35: {  	s10 =	sld [smem:$0x3FB8];
	_ =	sdelay $0x3  }
0x36: {  	p1 =	seq.s32 s10, $0x1;
	s10 =	sld [smem:$0x3FB9];
	_ =	sdelay $0x3  }
0x37: {  	[smem:$0x3FB9] =	sst s10  }
0x38: {  	s10 =	sld [smem:$0x3FBA]  }
0x39: {  	_ = 	snop;
	(pc) =	sbr.ind lr, $3  }
0x3a: {  	_ = 	snop  }
0x3b: {  	_ = 	snop  }
0x3c: {  	p2 =	seq.s32 s10, $0x1;
	s10 =	sld [smem:$0x3FB9]  }
0x3d: {  	_ =	shalt  }
0x3e: {  	_ =	shalt  }
0x3f: {  	_ =	shalt  }
0x40: {  	_ =	shalt  }
0x41: {  	_ =	shalt  }
0x42: {  	_ =	shalt  }
0x43: {  	_ =	shalt  }
0x44: {  	_ =	shalt  }
0x45: {  	_ =	shalt  }
0x46: {  	_ =	shalt  }
0x47: {  	_ =	shalt  }
0x48: {  	_ =	shalt  }
0x49: {  	_ =	shalt  }
0x4a: {  	_ =	shalt  }
0x4b: {  	_ =	shalt  }
0x4c: {  	_ =	shalt  }
0x4d: {  	_ =	shalt  }
0x4e: {  	_ =	shalt  }
0x4f: {  	_ =	shalt  }
0x50: {  	_ =	shalt  }
0x51: {  	_ =	shalt  }
0x52: {  	_ =	shalt  }
0x53: {  	_ =	shalt  }
0x54: {  	_ =	shalt  }
0x55: {  	_ =	shalt  }
0x56: {  	_ =	shalt  }
0x57: {  	_ =	shalt  }
0x58: {  	_ =	shalt  }
0x59: {  	_ =	shalt  }
0x5a: {  	_ =	shalt  }
0x5b: {  	_ =	shalt  }
0x5c: {  	_ =	shalt  }
0x5d: {  	_ =	shalt  }
0x5e: {  	_ =	shalt  }
0x5f: {  	_ =	shalt  }
0x60: {  	_ =	shalt  }
0x61: {  	_ =	shalt  }
0x62: {  	_ =	shalt  }
0x63: {  	_ =	shalt  }
0x64: {  	_ =	shalt  }
0x65: {  	_ =	shalt  }
0x66: {  	_ =	shalt  }
0x67: {  	_ =	shalt  }
0x68: {  	_ =	shalt  }
0x69: {  	_ =	shalt  }
0x6a: {  	_ =	shalt  }
0x6b: {  	_ =	shalt  }
0x6c: {  	_ =	shalt  }
0x6d: {  	_ =	shalt  }
0x6e: {  	_ =	shalt  }
0x6f: {  	_ =	shalt  }
0x70: {  	_ =	shalt  }
0x71: {  	_ =	shalt  }
0x72: {  	_ =	shalt  }
0x73: {  	_ =	shalt  }
0x74: {  	_ =	shalt  }
0x75: {  	_ =	shalt  }
0x76: {  	_ =	shalt  }
0x77: {  	_ =	shalt  }
0x78: {  	_ =	shalt  }
0x79: {  	_ =	shalt  }
0x7a: {  	_ =	shalt  }
0x7b: {  	_ =	shalt  }
0x7c: {  	_ =	shalt  }
0x7d: {  	_ =	shalt  }
0x7e: {  	_ =	shalt  }
0x7f: {  	_ =	shalt  }
0x80: {  	_ =	shalt  }
0x81: {  	_ =	shalt  }
0x82: {  	_ =	shalt  }
0x83: {  	_ =	shalt  }
0x84: {  	_ =	shalt  }
0x85: {  	_ =	shalt  }
0x86: {  	_ =	shalt  }
0x87: {  	_ =	shalt  }
.Lfunc_end0:
.L_simem_size_0:
called_computation_lowered:
.L_overlay_start_0:
0x88: {  	s2 =	sld [smem:$0x3FD9]  }
0x89: {  	s3 =	sld [smem:$0x3FFE];
	_ =	sdelay $0x1  }
0x8a: {  	s1 =	srdreg.scid  }
0x8b: {  	s0 =	sand.u32 $0x1, s1  }
0x8c: {  	s17 =	sshll.u32 s0, $0xA;
	s2 =	sadd.s32 s3, s2  }
0x8d: {  	s2 =	sadd.s32 s2, s17  }
0x8e: {  	[smem:$0x3FC5] =	sst s2  }
0x8f: {  	_ = 	snop  }
0x90: {  	s2 =	sld [smem:$0x3FC9]  }
0x91: {  	s18 =	sld [smem:$0x3FC8]  }
0x92: {  	s4 =	sld [smem:$0x3FC7];
	(tm) =	ssettm $0x1  }
0x93: {  	s5 =	sld [smem:$0x3FFB];
	_ =	sdelay $0x3  }
0x94: {  	_ =	strace s5  }
0x95: {  	s5 =	sld [smem:$0x3FFC];
	_ =	sdelay $0x3  }
0x96: {  	_ =	strace s5  }
0x97: {  	s5 =	sld [smem:$0x3FFD];
	_ =	sdelay $0x3  }
0x98: {  	_ =	strace s5  }
0x99: {  	_ =	strace $0x8FFFFFFF  }
0x9a: {  	s19 =	sld [smem:$0x3FDB];
	_ =	sdelay $0x1  }
0x9b: {  	s6 =	simm.s32 $_scs_section_size  }
0x9c: {  	s7 =	simm.s32 $_size__tile_overlayer_lowered;
	s8 =	simm.s32 $_tile_overlayer_lowered  }
0x9d: {  	s22 =	simm.s32 $0x1BFF;
	s21 =	sshll.u32 s8, $0x1;
	s5 =	sadd.s32 s6, s19  }
0x9e: {  	s9 =	simm.s32 $0x0;
	s20 =	sshll.u32 s7, $0x1;
	s7 =	sadd.s32 s21, s5  }
0x9f: {  	[timem:s9], [sflag:s22] =	dma.local [hbm:s7], s20  }
0xa0: {  	_ =	swait.ge [sflag:s22], s20  }
0xa1: {  	s6 =	ssub.s32 $0x0, s20;
	[sflag:s22] =	ssyncset.done $0x0  }
0xa2: {  	[sflag:s22] =	ssyncadd.s32 s6;
	_ =	sdelay $0x1  }
0xa3: {  	s23 =	simm.s32 $0x1B8B  }
0xa4: {  	_ =	swait.ge [sflag:s23], $0x1  }
0xa5: {  	[sflag:s23] =	ssyncset.done $0x0  }
0xa6: {  	s25 =	simm.s32 $0x1B8E;
	s24 =	sld [smem:$0x3FFE];
	[sflag:s23] =	ssyncadd.s32 $0xFFFFFFFF  }
0xa7: {  	s26 =	simm.s32 $execute0_lowered;
	[smem:$0x3FD2] =	sst s25  }
0xa8: {  	s7 =	sshll.u32 s26, $0x1;
	_ =	strace $0x80000046;
	[dreg:$0x1] =	wrdreg $0xFFFFFFFF  }
0xa9: {  	s28 =	simm.s32 $_size_execute0_lowered;
	s5 =	sadd.s32 s5, s7;
	[dreg:$0x0] =	wrdreg $0x0  }
0xaa: {  	s7 =	sshll.u32 s28, $0x1;
	[dreg:$0x2] =	wrdreg s5  }
0xab: {  	[dreg:$0x3] =	wrdreg s7  }
0xac: {  	[dreg:$0x4] =	wrdreg $0xC0  }
0xad: {  	_ =	task [dreg:s9], $0x5FFFF  }
0xae: {  	[dreg:$0x1] =	wrdreg $0xFFFFFFFF  }
0xaf: {  	[dreg:$0x0] =	wrdreg $0x60  }
0xb0: {  	[dreg:$0x2] =	wrdreg s2  }
0xb1: {  	[dreg:$0x3] =	wrdreg s18  }
0xb2: {  	[dreg:$0x4] =	wrdreg s4  }
0xb3: {  	[dreg:$0x5] =	wrdreg s24  }
0xb4: {  	[dreg:$0x6] =	wrdreg $0x9  }
0xb5: {  	_ =	task.clear_ibuf [dreg:s9], $0x7FFFF;
	_ =	strace $0x90000046  }
0xb6: {  	s29 =	simm.s32 $0x9;
	_ =	strace $0x80000048  }
0xb7: {  	_ =	swait.ge [sflag:s29], $0x1  }
0xb8: {  	[sflag:s29] =	ssyncadd.s32 $0xFFFFFFFF  }
0xb9: {  	_ =	strace $0x90000048  }
0xba: {  	_ =	sfence  }
0xbb: {  	s30 =	sld [smem:$0x0];
	_ =	sdelay $0x2  }
0xbc: {  	s31 =	sshll.u32 s1, $0xD;
	s1 =	sshrl.u32 s1, $0x2  }
0xbd: {  	s3 =	sand.u32 $0x4000, s31;
	s1 =	sadd.s32 s1, s30  }
0xbe: {  	s0 =	sor.u32 s3, s0;
	s1 =	sshll.u32 s1, $0x11  }
0xbf: {  	s0 =	sor.u32 s1, s0  }
0xc0: {  	s0 =	sadd.s32 $0x8F2B, s0  }
0xc1: {  	[sflag:s0] =	ssyncadd.remote.s32 $0x1  }
0xc2: {  	_ =	sfence.sel $0xFFFF  }
0xc3: {  	[dreg:$0x0] =	wrdreg $0xFFFFFFFF;
	(pc) =	sbr.abs _section_cstart, $3  }
0xc4: {  	[dreg:$0x1] =	wrdreg $0xFFFFFFFF  }
0xc5: {  	_ =	task.clear_ibuf [dreg:s9], $0x2FFFF;
	_ =	strace $0x9FFFFFFF  }
0xc6: {  	(tm) =	ssettm $0x7FFFFFFF  }
0xc7: {  	_ =	shalt  }
tec
execute0_lowered:
.L_overlay_start_1:
0x0: {  	(tag) =	ssettag $0x1  }
0x1: {  	s0 =	rddreg [dreg:$0x0]  }
0x2: {  	s1 =	rddreg [dreg:$0x1]  }
0x3: {  	s10 =	rddreg [dreg:$0x2]  }
0x4: {  	s14 =	rddreg [dreg:$0x3]  }
0x5: {  	s3 =	simm.s32 $0x0;
	s4 =	srdreg.scid;
	s2 =	stileid.u32  }
0x6: {  	s20 =	simm.s32 $0x4;
	s21 =	simm.s32 $0x1;
	s22 =	simm.s32 $0x19700  }
0x7: {  	s23 =	simm.s32 $0x2;
	s24 =	simm.s32 $0x3;
	s25 =	simm.s32 $0x1E700  }
0x8: {  	s26 =	simm.s32 $0x5;
	s28 =	simm.s32 $0x0;
	[smem:$0x7FF] =	sst s3  }
0x9: {  	s4 =	sand.u32 $0x1, s4;
	s9 =	sshrl.u32 s2, $0x2;
	s5 =	sshll.u32 s2, $0x8  }
0xa: {  	s12 =	sadd.s32 $0x1000, s0;
	s16 =	sadd.s32 $0x2000, s0;
	s18 =	sadd.s32 $0x3000, s0  }
0xb: {  	s6 =	sshll.u32 s4, $0x7;
	s5 =	sand.u32 $0x300, s5;
	s7 =	smul.u32 $0xC3800, s9  }
0xc: {  	_ =	strace $0x80000047;
	s4 =	ssub.s32 $0x2, s4;
	s29 =	sshll.u32 s9, $0x11  }
0xd: {  	s13 =	sor.u32 $0x4, s9;
	s19 =	sshll.u32 s9, $0xA;
	s11 =	sor.u32 s6, s5  }
0xe: {  	s30 =	sshrl.u32 s4, $0x1;
	s17 =	smul.u32 $0xC3800, s13;
	s13 =	sshll.u32 s13, $0x11  }
0xf: {  	s5 =	sor.u32 s7, s11;
	s6 =	sor.u32 s29, s11;
	s15 =	ssub.s32 s4, s30  }
0x10: {  	s13 =	sor.u32 s11, s13;
	s31 =	sor.u32 s19, s11;
	s19 =	simm.s32 $0x18700  }
0x11: {  	s5 =	sshrl.u32 s5, $0x3;
	s8 =	sshrl.u32 s6, $0x3;
	s17 =	sor.u32 s11, s17  }
0x12: {  	s13 =	sshrl.u32 s13, $0x3;
	s15 =	smax.u32 s15, $0x1;
	s4 =	sadd.s32 s10, s5  }
0x13: {  	s5 =	sadd.s32 s0, s8;
	s6 =	sadd.s32 s8, s12;
	s7 =	sadd.s32 s8, s16  }
0x14: {  	s8 =	sadd.s32 s8, s18;
	s17 =	sshrl.u32 s17, $0x3;
	s9 =	sadd.s32 s0, s13  }
0x15: {  	s11 =	sadd.s32 s13, s12;
	s12 =	sadd.s32 s13, s16;
	s0 =	sshrl.u32 s31, $0x3  }
0x16: {  	s13 =	sadd.s32 s13, s18;
	s16 =	simm.s32 $0x1A700;
	s18 =	simm.s32 $0x400  }
0x17: {  	s10 =	sadd.s32 s10, s17;
	s14 =	sadd.s32 s14, s0;
	s17 =	simm.s32 $0x80  }
.LBB2_1:
0x18: {  	[tilespmem:s16], [sflag:$0x4] =	stream.linear.gather [hbm4b:s1+s3], $0x4000, $0x38;
	[tilespmem:$0x1E780] =	vst v63  }
0x19: {  	_ = 	snop  }
0x1a: {  	[tilespmem:s3], [sflag:$0x1] =	stream.strided.gather [hbm4b:s4+s17], $0x18700, s18, s17, $0x38;
	[tilespmem:$0x1E780] =	vst v63  }
0x1b: {  	_ = 	snop  }
0x1c: {  	[tilespmem:s19], [sflag:$0x2] =	stream.strided.gather [hbm4b:s5+s17], $0x1000, s18, s17, $0x38;
	[tilespmem:$0x1E780] =	vst v63  }
0x1d: {  	_ =	swait.ge [sflag:s20], $0x4000  }
0x1e: {  	[sflag:s20] =	ssyncset.done $0x0  }
0x1f: {  	[sflag:s20] =	ssyncadd.s32 $0xFFFFC000  }
0x20: {  	_ =	swait.ge [sflag:s21], $0x18700  }
0x21: {  	[sflag:s21] =	ssyncset.done $0x0  }
0x22: {  	[sflag:s21] =	ssyncadd.s32 $0xFFFE7900  }
0x23: {  	[tilespmem:s22], [sflag:$0x3] =	stream.strided.gather [hbm4b:s6+s17], $0x1000, s18, s17, $0x38;
	[tilespmem:$0x1E780] =	vst v63  }
0x24: {  	_ =	swait.ge [sflag:s23], $0x1000  }
0x25: {  	[sflag:s23] =	ssyncset.done $0x0  }
0x26: {  	s0 =	simm.s32 $0x0;
	[sflag:s23] =	ssyncadd.s32 $0xFFFFF000  }
0x27: {  	v0 =	vld [tilespmem:s0+$0x1A730]  }
0x28: {  	v1 =	vld [tilespmem:s0+$0x1A700]  }
0x29: {  	v2 =	vld [tilespmem:s0+$0x1A710]  }
0x2a: {  	v3 =	vld [tilespmem:s0+$0x1A720]  }
0x2b: {  	v4 =	vld [tilespmem:s0+$0x18700]  }
0x2c: {  	v5 =	vld [tilespmem:s0+$0x18710]  }
0x2d: {  	v9 =	vld [tilespmem:s0+$0x18720]  }
0x2e: {  	s31 =	simm.s32 $0x40;
	v6 =	vld [tilespmem:s0+$0x18730]  }
0x2f: {  	v7 =	vld [tilespmem:s31+$0x1A730]  }
0x30: {  	v10 =	vld [tilespmem:s31+$0x1A700]  }
0x31: {  	v13 =	vld [tilespmem:s31+$0x1A710]  }
0x32: {  	v0 =	vld.idx.msk [tilespmem:v0+s3+$0x0], $0xffff  }
0x33: {  	v1 =	vld.idx.msk [tilespmem:v1+s3+$0x0], $0xffff  }
0x34: {  	v2 =	vld.idx.msk [tilespmem:v2+s3+$0x0], $0xffff  }
0x35: {  	v8 =	vld [tilespmem:s31+$0x1A720]  }
0x36: {  	v11 =	vld [tilespmem:s31+$0x18730]  }
0x37: {  	v12 =	vld.idx.msk [tilespmem:v3+s3+$0x0], $0xffff  }
0x38: {  	v3 =	vld [tilespmem:s31+$0x18700];
	v0 =	vsub.f32 v6, v0  }
0x39: {  	v4 =	vsub.f32 v4, v1;
	v2 =	vsub.f32 v5, v2;
	v6 =	vld [tilespmem:s31+$0x18720]  }
0x3a: {  	v7 =	vld.idx.msk [tilespmem:v7+s3+$0x0], $0xffff;
	v0 =	vmul.f32 v0, v0  }
0x3b: {  	v10 =	vld.idx.msk [tilespmem:v10+s3+$0x0], $0xffff;
	v5 =	vimm.f32 $0.0e+00;
	v14 =	vmul.f32 v4, v4;
	v15 =	vmul.f32 v2, v2  }
0x3c: {  	v1 =	vld [tilespmem:s31+$0x18710];
	v12 =	vsub.f32 v9, v12;
	v4 =	vadd.f32 v0, v5  }
0x3d: {  	s29 =	simm.s32 $0x80;
	s30 =	simm.s32 $0x300;
	v9 =	vld.idx.msk [tilespmem:v13+s3+$0x0], $0xffff;
	v2 =	vadd.f32 v14, v5;
	v0 =	vadd.f32 v15, v5  }
.LBB2_2:
0x3e: {  	p0 =	sne.s32 s30, $0x3F00;
	v13 =	vld [tilespmem:s29+$0x1A730];
	v12 =	vmul.f32 v12, v12;
	v14 =	vmov v6  }
0x3f: {  	v15 =	vld [tilespmem:s29+$0x1A700]  }
0x40: {  	v16 =	vld [tilespmem:s29+$0x1A710];
	v6 =	vsub.f32 v11, v7;
	v5 =	vadd.f32 v12, v5  }
0x41: {  	v11 =	vld [tilespmem:s29+$0x1A720]  }
0x42: {  	v7 =	vsub.f32 v3, v10;
	v12 =	vld.idx.msk [tilespmem:v8+s3+$0x0], $0xffff;
	v6 =	vmul.f32 v6, v6  }
0x43: {  	v17 =	vsub.f32 v1, v9;
	v3 =	vld [tilespmem:s29+$0x18700]  }
0x44: {  	v9 =	vmul.f32 v7, v7;
	v1 =	vld [tilespmem:s29+$0x18710];
	v4 =	vadd.f32 v6, v4  }
.Ltmp0:
0x45: {  	v10 =	vmul.f32 v17, v17;
	v6 =	vld [tilespmem:s29+$0x18720];
	(pc) =	sbr.rel @p0 .LBB2_2-.Ltmp0, $4  }
0x46: {  	v2 =	vadd.f32 v9, v2;
	v7 =	vld.idx.msk [tilespmem:v13+s3+$0x0], $0xffff;
	v8 =	vmov v11  }
0x47: {  	v0 =	vadd.f32 v10, v0;
	v11 =	vld [tilespmem:s29+$0x18730]  }
0x48: {  	v12 =	vsub.f32 v14, v12;
	v10 =	vld.idx.msk [tilespmem:v15+s3+$0x0], $0xffff  }
0x49: {  	s29 =	sshra.s32 s30, $0x2;
	s30 =	sadd.s32 $0x100, s30;
	v9 =	vld.idx.msk [tilespmem:v16+s3+$0x0], $0xffff  }
0x4a: {  	v13 =	vld [tilespmem:s29+$0x1A730]  }
0x4b: {  	v14 =	vld [tilespmem:s29+$0x1A700]  }
0x4c: {  	v15 =	vld [tilespmem:s29+$0x1A710]  }
0x4d: {  	v16 =	vld [tilespmem:s29+$0x1A720]  }
0x4e: {  	v17 =	vld.idx.msk [tilespmem:v8+s3+$0x0], $0xffff  }
0x4f: {  	v18 =	vld [tilespmem:s29+$0x18700]  }
0x50: {  	v19 =	vld [tilespmem:s29+$0x18710]  }
0x51: {  	v20 =	vld [tilespmem:s29+$0x18720]  }
0x52: {  	v21 =	vld [tilespmem:s29+$0x18730]  }
0x53: {  	v13 =	vld.idx.msk [tilespmem:v13+s3+$0x0], $0xffff  }
0x54: {  	v14 =	vld.idx.msk [tilespmem:v14+s3+$0x0], $0xffff  }
0x55: {  	v15 =	vld.idx.msk [tilespmem:v15+s3+$0x0], $0xffff  }
0x56: {  	v16 =	vld.idx.msk [tilespmem:v16+s3+$0x0], $0xffff;
	[tilespmem:s19], [sflag:$0x2] =	stream.strided.gather [hbm4b:s7+s17], $0x1000, s18, s17, $0x38  }
0x57: {  	_ =	swait.ge [sflag:s24], $0x1000  }
0x58: {  	[sflag:s24] =	ssyncset.done $0x0  }
0x59: {  	s0 =	simm.s32 $0x1B730;
	v7 =	vsub.f32 v11, v7;
	[sflag:s24] =	ssyncadd.s32 $0xFFFFF000  }
0x5a: {  	v22 =	vld [tilespmem:s0+$0xFFFFFFE0]  }
0x5b: {  	s29 =	simm.s32 $0x0;
	v3 =	vsub.f32 v3, v10;
	v10 =	vmul.f32 v7, v7;
	v23 =	vld [tilespmem:s0+$0xFFFFFFF0]  }
0x5c: {  	v1 =	vsub.f32 v1, v9;
	v24 =	vld [tilespmem:s0+$0x0];
	s0 =	sand.u32 $0xFC0, s29  }
0x5d: {  	v8 =	vmul.f32 v12, v12;
	v12 =	vadd.f32 v10, v4;
	v11 =	vld [tilespmem:s0+$0x1B700]  }
0x5e: {  	s29 =	simm.s32 $0x1B770;
	v10 =	vsub.f32 v21, v13;
	v13 =	vsub.f32 v18, v14;
	v14 =	vmul.f32 v1, v1  }
0x5f: {  	v3 =	vmul.f32 v3, v3;
	v6 =	vsub.f32 v6, v17;
	v7 =	vld [tilespmem:s29+$0xFFFFFFE0]  }
0x60: {  	v5 =	vadd.f32 v8, v5;
	v8 =	vld [tilespmem:s29+$0xFFFFFFF0];
	v14 =	vadd.f32 v14, v0;
	v0 =	vmul.f32 v10, v10  }
0x61: {  	s30 =	simm.s32 $0x19720;
	v3 =	vadd.f32 v3, v2;
	v6 =	vmul.f32 v6, v6;
	v9 =	vld [tilespmem:s29+$0x0];
	v13 =	vmul.f32 v13, v13  }
0x62: {  	v0 =	vadd.f32 v0, v12;
	v12 =	vld [tilespmem:s30+$0xFFFFFFF0]  }
0x63: {  	v63 =	vadd.f32 v6, v5;
	v5 =	vadd.f32 v13, v3;
	v13 =	vld [tilespmem:s30+$0x0]  }
0x64: {  	v15 =	vsub.f32 v19, v15;
	v16 =	vsub.f32 v20, v16;
	v4 =	vld.idx.msk [tilespmem:v22+s3+$0x0], $0xffff  }
0x65: {  	v10 =	vld.idx.msk [tilespmem:v11+s3+$0x0], $0xffff  }
0x66: {  	v6 =	vmul.f32 v15, v15;
	v15 =	vmul.f32 v16, v16;
	v11 =	vld [tilespmem:s30+$0xFFFFFFE0]  }
0x67: {  	s0 =	simm.s32 $0x40;
	v2 =	vld.idx.msk [tilespmem:v23+s3+$0x0], $0xffff  }
0x68: {  	s31 =	simm.s32 $0x80;
	s0 =	sand.u32 $0xFC0, s0;
	v6 =	vadd.f32 v6, v14;
	v3 =	vadd.f32 v15, v63;
	v1 =	vld.idx.msk [tilespmem:v24+s3+$0x0], $0xffff  }
.LBB2_4:
0x69: {  	p0 =	sne.s32 s31, $0xFC0;
	v14 =	vld [tilespmem:s0+$0x1B700]  }
0x6a: {  	s29 =	sadd.s32 $0x40, s29;
	v15 =	vld [tilespmem:s30+$0x10]  }
0x6b: {  	v16 =	vld [tilespmem:s29+$0xFFFFFFE0];
	v10 =	vsub.f32 v11, v10  }
0x6c: {  	v11 =	vld [tilespmem:s29+$0xFFFFFFF0];
	v12 =	vsub.f32 v12, v4  }
0x6d: {  	v17 =	vld [tilespmem:s29+$0x0];
	v10 =	vmul.f32 v10, v10;
	v13 =	vsub.f32 v13, v2  }
0x6e: {  	v4 =	vld.idx.msk [tilespmem:v7+s3+$0x0], $0xffff;
	v18 =	vmul.f32 v12, v12  }
0x6f: {  	v2 =	vld.idx.msk [tilespmem:v8+s3+$0x0], $0xffff;
	v5 =	vadd.f32 v10, v5;
	v19 =	vmul.f32 v13, v13;
	v12 =	vsub.f32 v15, v1  }
.Ltmp1:
0x70: {  	v1 =	vld.idx.msk [tilespmem:v9+s3+$0x0], $0xffff;
	v6 =	vadd.f32 v18, v6;
	v7 =	vmov v16;
	(pc) =	sbr.rel @p0 .LBB2_4-.Ltmp1, $4  }
0x71: {  	s30 =	sadd.s32 $0x40, s30;
	v10 =	vld.idx.msk [tilespmem:v14+s3+$0x0], $0xffff;
	v3 =	vadd.f32 v19, v3;
	v13 =	vmul.f32 v12, v12;
	v8 =	vmov v11  }
0x72: {  	v11 =	vld [tilespmem:s30+$0xFFFFFFE0];
	v9 =	vmov v17  }
0x73: {  	v12 =	vld [tilespmem:s30+$0xFFFFFFF0];
	v0 =	vadd.f32 v13, v0  }
0x74: {  	s0 =	sand.u32 $0xFC0, s31;
	s31 =	sadd.s32 $0x40, s31;
	v13 =	vld [tilespmem:s30+$0x0]  }
0x75: {  	_ =	sdelay $0x1  }
0x76: {  	v14 =	vld [tilespmem:s0+$0x1B700]  }
0x77: {  	v15 =	vld [tilespmem:s30+$0x10]  }
0x78: {  	v16 =	vld.idx.msk [tilespmem:v7+s3+$0x0], $0xffff  }
0x79: {  	v17 =	vld.idx.msk [tilespmem:v8+s3+$0x0], $0xffff  }
0x7a: {  	v18 =	vld.idx.msk [tilespmem:v9+s3+$0x0], $0xffff;
	s0 =	sadd.s32 $0x40, s30  }
0x7b: {  	v19 =	vld [tilespmem:s0+$0xFFFFFFE0]  }
0x7c: {  	v20 =	vld [tilespmem:s0+$0xFFFFFFF0]  }
0x7d: {  	v21 =	vld [tilespmem:s0+$0x0]  }
0x7e: {  	v22 =	vld [tilespmem:s0+$0x10]  }
0x7f: {  	v14 =	vld.idx.msk [tilespmem:v14+s3+$0x0], $0xffff;
	[tilespmem:s22], [sflag:$0x3] =	stream.strided.gather [hbm4b:s8+s17], $0x1000, s18, s17, $0x38  }
0x80: {  	_ =	swait.ge [sflag:s23], $0x1000  }
0x81: {  	[sflag:s23] =	ssyncset.done $0x0  }
0x82: {  	s0 =	simm.s32 $0x1C730;
	v4 =	vsub.f32 v12, v4;
	[sflag:s23] =	ssyncadd.s32 $0xFFFFF000  }
0x83: {  	v2 =	vsub.f32 v13, v2;
	v23 =	vld [tilespmem:s0+$0xFFFFFFE0]  }
0x84: {  	s29 =	simm.s32 $0x0;
	v7 =	vsub.f32 v11, v10;
	v4 =	vmul.f32 v4, v4;
	v24 =	vld [tilespmem:s0+$0xFFFFFFF0]  }
0x85: {  	v11 =	vsub.f32 v20, v16;
	v13 =	vmul.f32 v2, v2;
	v25 =	vld [tilespmem:s0+$0x0];
	s0 =	sand.u32 $0xFC0, s29  }
0x86: {  	s30 =	simm.s32 $0x18720;
	v9 =	vmul.f32 v7, v7;
	v12 =	vadd.f32 v4, v6;
	v10 =	vld [tilespmem:s0+$0x1C700]  }
0x87: {  	v3 =	vadd.f32 v13, v3;
	v13 =	vmul.f32 v11, v11;
	s29 =	simm.s32 $0x1C770;
	v11 =	vld [tilespmem:s30+$0xFFFFFFE0];
	v6 =	vsub.f32 v19, v14  }
0x88: {  	v7 =	vld [tilespmem:s29+$0xFFFFFFE0]  }
0x89: {  	v5 =	vadd.f32 v9, v5;
	v8 =	vld [tilespmem:s29+$0xFFFFFFF0];
	v6 =	vmul.f32 v6, v6  }
0x8a: {  	v1 =	vsub.f32 v15, v1;
	v9 =	vld [tilespmem:s29+$0x0]  }
0x8b: {  	v6 =	vadd.f32 v6, v5;
	v5 =	vadd.f32 v13, v12;
	v12 =	vld [tilespmem:s30+$0xFFFFFFF0]  }
0x8c: {  	v15 =	vsub.f32 v22, v18;
	v63 =	vmul.f32 v1, v1;
	v14 =	vsub.f32 v21, v17;
	v13 =	vld [tilespmem:s30+$0x0]  }
0x8d: {  	v4 =	vld.idx.msk [tilespmem:v23+s3+$0x0], $0xffff  }
0x8e: {  	v15 =	vmul.f32 v15, v15;
	v0 =	vadd.f32 v63, v0;
	v14 =	vmul.f32 v14, v14;
	v10 =	vld.idx.msk [tilespmem:v10+s3+$0x0], $0xffff  }
0x8f: {  	s0 =	simm.s32 $0x40;
	v2 =	vld.idx.msk [tilespmem:v24+s3+$0x0], $0xffff  }
0x90: {  	s31 =	simm.s32 $0x80;
	v0 =	vadd.f32 v15, v0;
	s0 =	sand.u32 $0xFC0, s0;
	v3 =	vadd.f32 v14, v3;
	v1 =	vld.idx.msk [tilespmem:v25+s3+$0x0], $0xffff  }
.LBB2_6:
0x91: {  	p0 =	sne.s32 s31, $0xFC0;
	v14 =	vld [tilespmem:s0+$0x1C700]  }
0x92: {  	s29 =	sadd.s32 $0x40, s29;
	v15 =	vld [tilespmem:s30+$0x10]  }
0x93: {  	v16 =	vld [tilespmem:s29+$0xFFFFFFE0];
	v10 =	vsub.f32 v11, v10  }
0x94: {  	v11 =	vld [tilespmem:s29+$0xFFFFFFF0];
	v12 =	vsub.f32 v12, v4  }
0x95: {  	v17 =	vld [tilespmem:s29+$0x0];
	v10 =	vmul.f32 v10, v10;
	v13 =	vsub.f32 v13, v2  }
0x96: {  	v4 =	vld.idx.msk [tilespmem:v7+s3+$0x0], $0xffff;
	v18 =	vmul.f32 v12, v12  }
0x97: {  	v2 =	vld.idx.msk [tilespmem:v8+s3+$0x0], $0xffff;
	v6 =	vadd.f32 v10, v6;
	v19 =	vmul.f32 v13, v13;
	v12 =	vsub.f32 v15, v1  }
.Ltmp2:
0x98: {  	v1 =	vld.idx.msk [tilespmem:v9+s3+$0x0], $0xffff;
	v5 =	vadd.f32 v18, v5;
	v7 =	vmov v16;
	(pc) =	sbr.rel @p0 .LBB2_6-.Ltmp2, $4  }
0x99: {  	s30 =	sadd.s32 $0x40, s30;
	v10 =	vld.idx.msk [tilespmem:v14+s3+$0x0], $0xffff;
	v3 =	vadd.f32 v19, v3;
	v13 =	vmul.f32 v12, v12;
	v8 =	vmov v11  }
0x9a: {  	v11 =	vld [tilespmem:s30+$0xFFFFFFE0];
	v9 =	vmov v17  }
0x9b: {  	v12 =	vld [tilespmem:s30+$0xFFFFFFF0];
	v0 =	vadd.f32 v13, v0  }
0x9c: {  	s0 =	sand.u32 $0xFC0, s31;
	s31 =	sadd.s32 $0x40, s31;
	v13 =	vld [tilespmem:s30+$0x0]  }
0x9d: {  	_ =	sdelay $0x1  }
0x9e: {  	v14 =	vld [tilespmem:s0+$0x1C700]  }
0x9f: {  	v15 =	vld [tilespmem:s30+$0x10]  }
0xa0: {  	v16 =	vld.idx.msk [tilespmem:v7+s3+$0x0], $0xffff  }
0xa1: {  	v17 =	vld.idx.msk [tilespmem:v8+s3+$0x0], $0xffff  }
0xa2: {  	v18 =	vld.idx.msk [tilespmem:v9+s3+$0x0], $0xffff;
	s0 =	sadd.s32 $0x40, s30  }
0xa3: {  	v19 =	vld [tilespmem:s0+$0xFFFFFFE0]  }
0xa4: {  	v20 =	vld [tilespmem:s0+$0xFFFFFFF0]  }
0xa5: {  	v21 =	vld [tilespmem:s0+$0x0]  }
0xa6: {  	v22 =	vld [tilespmem:s0+$0x10]  }
0xa7: {  	v14 =	vld.idx.msk [tilespmem:v14+s3+$0x0], $0xffff;
	[tilespmem:s19], [sflag:$0x2] =	stream.strided.gather [hbm4b:s9+s17], $0x1000, s18, s17, $0x38  }
0xa8: {  	_ =	swait.ge [sflag:s24], $0x1000  }
0xa9: {  	[sflag:s24] =	ssyncset.done $0x0  }
0xaa: {  	s0 =	simm.s32 $0x1D730;
	[sflag:s24] =	ssyncadd.s32 $0xFFFFF000  }
0xab: {  	v7 =	vsub.f32 v11, v10;
	v11 =	vsub.f32 v13, v2;
	v23 =	vld [tilespmem:s0+$0xFFFFFFE0]  }
0xac: {  	s29 =	simm.s32 $0x0;
	v24 =	vld [tilespmem:s0+$0xFFFFFFF0]  }
0xad: {  	v11 =	vmul.f32 v11, v11;
	v25 =	vld [tilespmem:s0+$0x0];
	s0 =	sand.u32 $0xFC0, s29  }
0xae: {  	s30 =	simm.s32 $0x19720;
	v1 =	vsub.f32 v15, v1;
	v10 =	vld [tilespmem:s0+$0x1D700]  }
0xaf: {  	v9 =	vmul.f32 v7, v7;
	v3 =	vadd.f32 v11, v3;
	s29 =	simm.s32 $0x1D770;
	v11 =	vld [tilespmem:s30+$0xFFFFFFE0];
	v13 =	vsub.f32 v19, v14  }
0xb0: {  	v4 =	vsub.f32 v12, v4;
	v7 =	vld [tilespmem:s29+$0xFFFFFFE0]  }
0xb1: {  	v12 =	vadd.f32 v9, v6;
	v1 =	vmul.f32 v1, v1;
	v8 =	vld [tilespmem:s29+$0xFFFFFFF0];
	v13 =	vmul.f32 v13, v13  }
0xb2: {  	v15 =	vsub.f32 v21, v17;
	v9 =	vld [tilespmem:s29+$0x0]  }
0xb3: {  	v63 =	vadd.f32 v1, v0;
	v0 =	vadd.f32 v13, v12;
	v12 =	vld [tilespmem:s30+$0xFFFFFFF0]  }
0xb4: {  	v4 =	vmul.f32 v4, v4;
	v62 =	vsub.f32 v22, v18;
	v14 =	vsub.f32 v20, v16;
	v13 =	vld [tilespmem:s30+$0x0]  }
0xb5: {  	v15 =	vmul.f32 v15, v15;
	v2 =	vld.idx.msk [tilespmem:v23+s3+$0x0], $0xffff  }
0xb6: {  	v4 =	vadd.f32 v4, v5;
	v16 =	vmul.f32 v62, v62;
	v14 =	vmul.f32 v14, v14;
	v10 =	vld.idx.msk [tilespmem:v10+s3+$0x0], $0xffff  }
0xb7: {  	v3 =	vadd.f32 v15, v3;
	s0 =	simm.s32 $0x40;
	v5 =	vld.idx.msk [tilespmem:v24+s3+$0x0], $0xffff  }
0xb8: {  	s31 =	simm.s32 $0x80;
	s0 =	sand.u32 $0xFC0, s0;
	v1 =	vadd.f32 v14, v4;
	v4 =	vadd.f32 v16, v63;
	v6 =	vld.idx.msk [tilespmem:v25+s3+$0x0], $0xffff  }
.LBB2_8:
0xb9: {  	p0 =	sne.s32 s31, $0xFC0;
	v14 =	vld [tilespmem:s0+$0x1D700]  }
0xba: {  	s29 =	sadd.s32 $0x40, s29;
	v15 =	vld [tilespmem:s30+$0x10]  }
0xbb: {  	v16 =	vld [tilespmem:s29+$0xFFFFFFE0];
	v10 =	vsub.f32 v11, v10  }
0xbc: {  	v11 =	vld [tilespmem:s29+$0xFFFFFFF0];
	v12 =	vsub.f32 v12, v2  }
0xbd: {  	v17 =	vld [tilespmem:s29+$0x0];
	v10 =	vmul.f32 v10, v10;
	v13 =	vsub.f32 v13, v5  }
0xbe: {  	v2 =	vld.idx.msk [tilespmem:v7+s3+$0x0], $0xffff;
	v18 =	vmul.f32 v12, v12  }
0xbf: {  	v5 =	vld.idx.msk [tilespmem:v8+s3+$0x0], $0xffff;
	v0 =	vadd.f32 v10, v0;
	v19 =	vmul.f32 v13, v13;
	v12 =	vsub.f32 v15, v6  }
.Ltmp3:
0xc0: {  	v6 =	vld.idx.msk [tilespmem:v9+s3+$0x0], $0xffff;
	v1 =	vadd.f32 v18, v1;
	v7 =	vmov v16;
	(pc) =	sbr.rel @p0 .LBB2_8-.Ltmp3, $4  }
0xc1: {  	s30 =	sadd.s32 $0x40, s30;
	v10 =	vld.idx.msk [tilespmem:v14+s3+$0x0], $0xffff;
	v3 =	vadd.f32 v19, v3;
	v13 =	vmul.f32 v12, v12;
	v8 =	vmov v11  }
0xc2: {  	v11 =	vld [tilespmem:s30+$0xFFFFFFE0];
	v9 =	vmov v17  }
0xc3: {  	v12 =	vld [tilespmem:s30+$0xFFFFFFF0];
	v4 =	vadd.f32 v13, v4  }
0xc4: {  	s0 =	sand.u32 $0xFC0, s31;
	s31 =	sadd.s32 $0x40, s31;
	v13 =	vld [tilespmem:s30+$0x0]  }
0xc5: {  	_ = 	snop  }
0xc6: {  	v14 =	vld [tilespmem:s0+$0x1D700];
	_ =	sdelay $0x1  }
0xc7: {  	v15 =	vld [tilespmem:s30+$0x10]  }
0xc8: {  	v16 =	vld.idx.msk [tilespmem:v7+s3+$0x0], $0xffff  }
0xc9: {  	v8 =	vld.idx.msk [tilespmem:v8+s3+$0x0], $0xffff;
	s31 =	sadd.s32 $0x40, s30  }
0xca: {  	v17 =	vld [tilespmem:s31+$0xFFFFFFF0]  }
0xcb: {  	v18 =	vld [tilespmem:s31+$0x0]  }
0xcc: {  	v19 =	vld [tilespmem:s31+$0x10]  }
0xcd: {  	v7 =	vld.idx.msk [tilespmem:v14+s3+$0x0], $0xffff  }
0xce: {  	v14 =	vld [tilespmem:s31+$0xFFFFFFE0];
	s31 =	simm.s32 $0x0  }
0xcf: {  	v9 =	vld.idx.msk [tilespmem:v9+s3+$0x0], $0xffff;
	[tilespmem:s31], [sflag:$0x1] =	stream.strided.gather [hbm4b:s10+s17], $0x18700, s18, s17, $0x38  }
0xd0: {  	_ =	swait.ge [sflag:s21], $0x18700  }
0xd1: {  	[sflag:s21] =	ssyncset.done $0x0  }
0xd2: {  	[sflag:s21] =	ssyncadd.s32 $0xFFFE7900  }
0xd3: {  	[tilespmem:s22], [sflag:$0x3] =	stream.strided.gather [hbm4b:s11+s17], $0x1000, s18, s17, $0x38;
	[tilespmem:$0x1E780] =	vst v63  }
0xd4: {  	_ =	swait.ge [sflag:s23], $0x1000  }
0xd5: {  	[sflag:s23] =	ssyncset.done $0x0  }
0xd6: {  	s31 =	simm.s32 $0x0;
	[sflag:s23] =	ssyncadd.s32 $0xFFFFF000  }
0xd7: {  	v20 =	vld [tilespmem:s31+$0x1A730]  }
0xd8: {  	v21 =	vld [tilespmem:s31+$0x1A700]  }
0xd9: {  	v22 =	vld [tilespmem:s31+$0x1A710]  }
0xda: {  	v23 =	vld [tilespmem:s31+$0x1A720]  }
0xdb: {  	v24 =	vld [tilespmem:s31+$0x18700]  }
0xdc: {  	v25 =	vld [tilespmem:s31+$0x18710]  }
0xdd: {  	v26 =	vld [tilespmem:s31+$0x18720]  }
0xde: {  	v27 =	vld [tilespmem:s31+$0x18730];
	s31 =	simm.s32 $0x40  }
0xdf: {  	v10 =	vsub.f32 v11, v10;
	v5 =	vsub.f32 v13, v5;
	v13 =	vld [tilespmem:s31+$0x1A730]  }
0xe0: {  	v2 =	vsub.f32 v12, v2;
	v7 =	vsub.f32 v14, v7;
	v14 =	vld [tilespmem:s31+$0x1A700]  }
0xe1: {  	v10 =	vmul.f32 v10, v10;
	v6 =	vsub.f32 v15, v6;
	v15 =	vld [tilespmem:s31+$0x1A710]  }
0xe2: {  	v2 =	vmul.f32 v2, v2;
	v11 =	vld.idx.msk [tilespmem:v21+s3+$0x0], $0xffff  }
0xe3: {  	v5 =	vmul.f32 v5, v5;
	v0 =	vadd.f32 v10, v0;
	v8 =	vsub.f32 v18, v8;
	v12 =	vld.idx.msk [tilespmem:v22+s3+$0x0], $0xffff  }
0xe4: {  	v6 =	vmul.f32 v6, v6;
	v1 =	vadd.f32 v2, v1;
	v2 =	vmul.f32 v7, v7;
	v20 =	vld.idx.msk [tilespmem:v20+s3+$0x0], $0xffff  }
0xe5: {  	v3 =	vadd.f32 v5, v3;
	v5 =	vsub.f32 v17, v16;
	v7 =	vld [tilespmem:s31+$0x1A720]  }
0xe6: {  	v4 =	vadd.f32 v6, v4;
	v10 =	vadd.f32 v2, v0;
	v2 =	vld [tilespmem:s31+$0x18700]  }
0xe7: {  	v6 =	vsub.f32 v19, v9;
	v9 =	vld.idx.msk [tilespmem:v23+s3+$0x0], $0xffff;
	v11 =	vsub.f32 v24, v11  }
0xe8: {  	v18 =	vmul.f32 v8, v8;
	v5 =	vmul.f32 v5, v5;
	v0 =	vld [tilespmem:s31+$0x18710];
	v12 =	vsub.f32 v25, v12  }
0xe9: {  	v62 =	vmul.f32 v6, v6;
	v6 =	vld [tilespmem:s31+$0x18720];
	v61 =	vsub.f32 v27, v20;
	v63 =	vmul.f32 v11, v11  }
0xea: {  	v1 =	vadd.f32 v5, v1;
	v5 =	vadd.f32 v18, v3;
	v8 =	vld.idx.msk [tilespmem:v13+s3+$0x0], $0xffff;
	v12 =	vmul.f32 v12, v12  }
0xeb: {  	v4 =	vadd.f32 v62, v4;
	v16 =	vmul.f32 v61, v61;
	v11 =	vld [tilespmem:s31+$0x18730];
	v3 =	vadd.f32 v63, v10  }
0xec: {  	v10 =	vld.idx.msk [tilespmem:v14+s3+$0x0], $0xffff;
	v1 =	vadd.f32 v12, v1;
	v12 =	vsub.f32 v26, v9  }
0xed: {  	s29 =	simm.s32 $0x80;
	s30 =	simm.s32 $0x300;
	v4 =	vadd.f32 v16, v4;
	v9 =	vld.idx.msk [tilespmem:v15+s3+$0x0], $0xffff  }
.LBB2_10:
0xee: {  	p0 =	sne.s32 s30, $0x3F00;
	v13 =	vld [tilespmem:s29+$0x1A730];
	v12 =	vmul.f32 v12, v12;
	v14 =	vmov v6  }
0xef: {  	v15 =	vld [tilespmem:s29+$0x1A700]  }
0xf0: {  	v16 =	vld [tilespmem:s29+$0x1A710];
	v6 =	vsub.f32 v11, v8;
	v5 =	vadd.f32 v12, v5  }
0xf1: {  	v11 =	vld [tilespmem:s29+$0x1A720]  }
0xf2: {  	v8 =	vsub.f32 v2, v10;
	v12 =	vld.idx.msk [tilespmem:v7+s3+$0x0], $0xffff;
	v6 =	vmul.f32 v6, v6  }
0xf3: {  	v17 =	vsub.f32 v0, v9;
	v2 =	vld [tilespmem:s29+$0x18700]  }
0xf4: {  	v9 =	vmul.f32 v8, v8;
	v0 =	vld [tilespmem:s29+$0x18710];
	v4 =	vadd.f32 v6, v4  }
.Ltmp4:
0xf5: {  	v10 =	vmul.f32 v17, v17;
	v6 =	vld [tilespmem:s29+$0x18720];
	(pc) =	sbr.rel @p0 .LBB2_10-.Ltmp4, $4  }
0xf6: {  	v3 =	vadd.f32 v9, v3;
	v8 =	vld.idx.msk [tilespmem:v13+s3+$0x0], $0xffff;
	v7 =	vmov v11  }
0xf7: {  	v1 =	vadd.f32 v10, v1;
	v11 =	vld [tilespmem:s29+$0x18730]  }
0xf8: {  	v12 =	vsub.f32 v14, v12;
	v10 =	vld.idx.msk [tilespmem:v15+s3+$0x0], $0xffff  }
0xf9: {  	s29 =	sshra.s32 s30, $0x2;
	s30 =	sadd.s32 $0x100, s30;
	v9 =	vld.idx.msk [tilespmem:v16+s3+$0x0], $0xffff  }
0xfa: {  	v13 =	vld [tilespmem:s29+$0x1A730]  }
0xfb: {  	v14 =	vld [tilespmem:s29+$0x1A700]  }
0xfc: {  	v15 =	vld [tilespmem:s29+$0x1A710]  }
0xfd: {  	v16 =	vld [tilespmem:s29+$0x1A720]  }
0xfe: {  	v17 =	vld.idx.msk [tilespmem:v7+s3+$0x0], $0xffff  }
0xff: {  	v18 =	vld [tilespmem:s29+$0x18700]  }
0x100: {  	v19 =	vld [tilespmem:s29+$0x18710]  }
0x101: {  	v20 =	vld [tilespmem:s29+$0x18720]  }
0x102: {  	v21 =	vld [tilespmem:s29+$0x18730]  }
0x103: {  	v13 =	vld.idx.msk [tilespmem:v13+s3+$0x0], $0xffff  }
0x104: {  	v14 =	vld.idx.msk [tilespmem:v14+s3+$0x0], $0xffff  }
0x105: {  	v15 =	vld.idx.msk [tilespmem:v15+s3+$0x0], $0xffff  }
0x106: {  	v16 =	vld.idx.msk [tilespmem:v16+s3+$0x0], $0xffff;
	[tilespmem:s19], [sflag:$0x2] =	stream.strided.gather [hbm4b:s12+s17], $0x1000, s18, s17, $0x38  }
0x107: {  	_ =	swait.ge [sflag:s24], $0x1000  }
0x108: {  	v7 =	vsub.f32 v11, v8;
	[sflag:s24] =	ssyncset.done $0x0  }
0x109: {  	s0 =	simm.s32 $0x1B730;
	v8 =	vmul.f32 v12, v12;
	v2 =	vsub.f32 v2, v10;
	[sflag:s24] =	ssyncadd.s32 $0xFFFFF000  }
0x10a: {  	v10 =	vmul.f32 v7, v7;
	v22 =	vld [tilespmem:s0+$0xFFFFFFE0]  }
0x10b: {  	s29 =	simm.s32 $0x0;
	v12 =	vadd.f32 v8, v5;
	v2 =	vmul.f32 v2, v2;
	v23 =	vld [tilespmem:s0+$0xFFFFFFF0]  }
0x10c: {  	v0 =	vsub.f32 v0, v9;
	v4 =	vadd.f32 v10, v4;
	v24 =	vld [tilespmem:s0+$0x0];
	s0 =	sand.u32 $0xFC0, s29  }
0x10d: {  	v25 =	vadd.f32 v2, v3;
	v2 =	vsub.f32 v6, v17;
	v11 =	vld [tilespmem:s0+$0x1B700]  }
0x10e: {  	v0 =	vmul.f32 v0, v0;
	s29 =	simm.s32 $0x1B770;
	v6 =	vsub.f32 v21, v13;
	v10 =	vsub.f32 v18, v14  }
0x10f: {  	v7 =	vld [tilespmem:s29+$0xFFFFFFE0];
	v13 =	vsub.f32 v19, v15;
	v14 =	vsub.f32 v20, v16;
	v15 =	vmul.f32 v2, v2  }
0x110: {  	v63 =	vadd.f32 v0, v1;
	v8 =	vld [tilespmem:s29+$0xFFFFFFF0];
	v0 =	vmul.f32 v6, v6  }
0x111: {  	s30 =	simm.s32 $0x19720;
	v9 =	vld [tilespmem:s29+$0x0];
	v15 =	vadd.f32 v15, v12;
	v6 =	vmul.f32 v13, v13;
	v13 =	vmul.f32 v14, v14  }
0x112: {  	v12 =	vld [tilespmem:s30+$0xFFFFFFF0]  }
0x113: {  	v0 =	vadd.f32 v0, v4;
	v4 =	vadd.f32 v13, v15;
	v13 =	vld [tilespmem:s30+$0x0]  }
0x114: {  	v5 =	vld.idx.msk [tilespmem:v22+s3+$0x0], $0xffff  }
0x115: {  	v1 =	vmul.f32 v10, v10;
	v10 =	vld.idx.msk [tilespmem:v11+s3+$0x0], $0xffff  }
0x116: {  	v11 =	vld [tilespmem:s30+$0xFFFFFFE0]  }
0x117: {  	s0 =	simm.s32 $0x40;
	v3 =	vld.idx.msk [tilespmem:v23+s3+$0x0], $0xffff  }
0x118: {  	s31 =	simm.s32 $0x80;
	s0 =	sand.u32 $0xFC0, s0;
	v1 =	vadd.f32 v1, v25;
	v6 =	vadd.f32 v6, v63;
	v2 =	vld.idx.msk [tilespmem:v24+s3+$0x0], $0xffff  }
.LBB2_12:
0x119: {  	p0 =	sne.s32 s31, $0xFC0;
	v14 =	vld [tilespmem:s0+$0x1B700]  }
0x11a: {  	s29 =	sadd.s32 $0x40, s29;
	v15 =	vld [tilespmem:s30+$0x10]  }
0x11b: {  	v16 =	vld [tilespmem:s29+$0xFFFFFFE0];
	v10 =	vsub.f32 v11, v10  }
0x11c: {  	v11 =	vld [tilespmem:s29+$0xFFFFFFF0];
	v12 =	vsub.f32 v12, v5  }
0x11d: {  	v17 =	vld [tilespmem:s29+$0x0];
	v10 =	vmul.f32 v10, v10;
	v13 =	vsub.f32 v13, v3  }
0x11e: {  	v5 =	vld.idx.msk [tilespmem:v7+s3+$0x0], $0xffff;
	v18 =	vmul.f32 v12, v12  }
0x11f: {  	v3 =	vld.idx.msk [tilespmem:v8+s3+$0x0], $0xffff;
	v1 =	vadd.f32 v10, v1;
	v19 =	vmul.f32 v13, v13;
	v12 =	vsub.f32 v15, v2  }
.Ltmp5:
0x120: {  	v2 =	vld.idx.msk [tilespmem:v9+s3+$0x0], $0xffff;
	v6 =	vadd.f32 v18, v6;
	v7 =	vmov v16;
	(pc) =	sbr.rel @p0 .LBB2_12-.Ltmp5, $4  }
0x121: {  	s30 =	sadd.s32 $0x40, s30;
	v10 =	vld.idx.msk [tilespmem:v14+s3+$0x0], $0xffff;
	v4 =	vadd.f32 v19, v4;
	v13 =	vmul.f32 v12, v12;
	v8 =	vmov v11  }
0x122: {  	v11 =	vld [tilespmem:s30+$0xFFFFFFE0];
	v9 =	vmov v17  }
0x123: {  	v12 =	vld [tilespmem:s30+$0xFFFFFFF0];
	v0 =	vadd.f32 v13, v0  }
0x124: {  	s0 =	sand.u32 $0xFC0, s31;
	s31 =	sadd.s32 $0x40, s31;
	v13 =	vld [tilespmem:s30+$0x0]  }
0x125: {  	_ =	sdelay $0x1  }
0x126: {  	v14 =	vld [tilespmem:s0+$0x1B700]  }
0x127: {  	v15 =	vld [tilespmem:s30+$0x10]  }
0x128: {  	v16 =	vld.idx.msk [tilespmem:v7+s3+$0x0], $0xffff  }
0x129: {  	v17 =	vld.idx.msk [tilespmem:v8+s3+$0x0], $0xffff  }
0x12a: {  	v18 =	vld.idx.msk [tilespmem:v9+s3+$0x0], $0xffff;
	s0 =	sadd.s32 $0x40, s30  }
0x12b: {  	v19 =	vld [tilespmem:s0+$0xFFFFFFE0]  }
0x12c: {  	v20 =	vld [tilespmem:s0+$0xFFFFFFF0]  }
0x12d: {  	v21 =	vld [tilespmem:s0+$0x0]  }
0x12e: {  	v22 =	vld [tilespmem:s0+$0x10]  }
0x12f: {  	v14 =	vld.idx.msk [tilespmem:v14+s3+$0x0], $0xffff;
	[tilespmem:s22], [sflag:$0x3] =	stream.strided.gather [hbm4b:s13+s17], $0x1000, s18, s17, $0x38  }
0x130: {  	_ =	swait.ge [sflag:s23], $0x1000  }
0x131: {  	[sflag:s23] =	ssyncset.done $0x0  }
0x132: {  	s0 =	simm.s32 $0x1C730;
	v7 =	vsub.f32 v11, v10;
	[sflag:s23] =	ssyncadd.s32 $0xFFFFF000  }
0x133: {  	v5 =	vsub.f32 v12, v5;
	v23 =	vld [tilespmem:s0+$0xFFFFFFE0]  }
0x134: {  	s29 =	simm.s32 $0x0;
	v9 =	vmul.f32 v7, v7;
	v3 =	vsub.f32 v13, v3;
	v24 =	vld [tilespmem:s0+$0xFFFFFFF0]  }
0x135: {  	v5 =	vmul.f32 v5, v5;
	v11 =	vsub.f32 v20, v16;
	v25 =	vld [tilespmem:s0+$0x0];
	s0 =	sand.u32 $0xFC0, s29  }
0x136: {  	s30 =	simm.s32 $0x18720;
	v12 =	vadd.f32 v9, v1;
	v1 =	vsub.f32 v15, v2;
	v13 =	vmul.f32 v3, v3;
	v10 =	vld [tilespmem:s0+$0x1C700]  }
0x137: {  	v2 =	vadd.f32 v5, v6;
	v63 =	vmul.f32 v11, v11;
	s29 =	simm.s32 $0x1C770;
	v11 =	vld [tilespmem:s30+$0xFFFFFFE0];
	v6 =	vsub.f32 v19, v14  }
0x138: {  	v7 =	vld [tilespmem:s29+$0xFFFFFFE0];
	v14 =	vsub.f32 v21, v17  }
0x139: {  	v13 =	vadd.f32 v13, v4;
	v8 =	vld [tilespmem:s29+$0xFFFFFFF0];
	v4 =	vmul.f32 v6, v6  }
0x13a: {  	v9 =	vld [tilespmem:s29+$0x0];
	v14 =	vmul.f32 v14, v14  }
0x13b: {  	v15 =	vsub.f32 v22, v18;
	v6 =	vadd.f32 v4, v12;
	v12 =	vld [tilespmem:s30+$0xFFFFFFF0]  }
0x13c: {  	v62 =	vmul.f32 v1, v1;
	v4 =	vadd.f32 v63, v2;
	v2 =	vadd.f32 v14, v13;
	v13 =	vld [tilespmem:s30+$0x0]  }
0x13d: {  	v5 =	vld.idx.msk [tilespmem:v23+s3+$0x0], $0xffff  }
0x13e: {  	v15 =	vmul.f32 v15, v15;
	v0 =	vadd.f32 v62, v0;
	v10 =	vld.idx.msk [tilespmem:v10+s3+$0x0], $0xffff  }
0x13f: {  	s0 =	simm.s32 $0x40;
	v3 =	vld.idx.msk [tilespmem:v24+s3+$0x0], $0xffff  }
0x140: {  	s31 =	simm.s32 $0x80;
	v0 =	vadd.f32 v15, v0;
	s0 =	sand.u32 $0xFC0, s0;
	v1 =	vld.idx.msk [tilespmem:v25+s3+$0x0], $0xffff  }
.LBB2_14:
0x141: {  	p0 =	sne.s32 s31, $0xFC0;
	v14 =	vld [tilespmem:s0+$0x1C700]  }
0x142: {  	s29 =	sadd.s32 $0x40, s29;
	v15 =	vld [tilespmem:s30+$0x10]  }
0x143: {  	v16 =	vld [tilespmem:s29+$0xFFFFFFE0];
	v10 =	vsub.f32 v11, v10  }
0x144: {  	v11 =	vld [tilespmem:s29+$0xFFFFFFF0];
	v12 =	vsub.f32 v12, v5  }
0x145: {  	v17 =	vld [tilespmem:s29+$0x0];
	v10 =	vmul.f32 v10, v10;
	v13 =	vsub.f32 v13, v3  }
0x146: {  	v5 =	vld.idx.msk [tilespmem:v7+s3+$0x0], $0xffff;
	v18 =	vmul.f32 v12, v12  }
0x147: {  	v3 =	vld.idx.msk [tilespmem:v8+s3+$0x0], $0xffff;
	v6 =	vadd.f32 v10, v6;
	v19 =	vmul.f32 v13, v13;
	v12 =	vsub.f32 v15, v1  }
.Ltmp6:
0x148: {  	v1 =	vld.idx.msk [tilespmem:v9+s3+$0x0], $0xffff;
	v4 =	vadd.f32 v18, v4;
	v7 =	vmov v16;
	(pc) =	sbr.rel @p0 .LBB2_14-.Ltmp6, $4  }
0x149: {  	s30 =	sadd.s32 $0x40, s30;
	v10 =	vld.idx.msk [tilespmem:v14+s3+$0x0], $0xffff;
	v2 =	vadd.f32 v19, v2;
	v13 =	vmul.f32 v12, v12;
	v8 =	vmov v11  }
0x14a: {  	v11 =	vld [tilespmem:s30+$0xFFFFFFE0];
	v9 =	vmov v17  }
0x14b: {  	v12 =	vld [tilespmem:s30+$0xFFFFFFF0];
	v0 =	vadd.f32 v13, v0  }
0x14c: {  	s0 =	sand.u32 $0xFC0, s31;
	s31 =	sadd.s32 $0x40, s31;
	v13 =	vld [tilespmem:s30+$0x0]  }
0x14d: {  	_ =	sdelay $0x1  }
0x14e: {  	v14 =	vld [tilespmem:s0+$0x1C700]  }
0x14f: {  	v15 =	vld [tilespmem:s30+$0x10]  }
0x150: {  	v7 =	vld.idx.msk [tilespmem:v7+s3+$0x0], $0xffff  }
0x151: {  	v16 =	vld.idx.msk [tilespmem:v8+s3+$0x0], $0xffff  }
0x152: {  	v17 =	vld.idx.msk [tilespmem:v9+s3+$0x0], $0xffff;
	s0 =	sadd.s32 $0x40, s30  }
0x153: {  	v18 =	vld [tilespmem:s0+$0xFFFFFFE0]  }
0x154: {  	v19 =	vld [tilespmem:s0+$0xFFFFFFF0]  }
0x155: {  	v20 =	vld [tilespmem:s0+$0x0]  }
0x156: {  	v21 =	vld [tilespmem:s0+$0x10]  }
0x157: {  	v14 =	vld.idx.msk [tilespmem:v14+s3+$0x0], $0xffff;
	_ =	swait.ge [sflag:s24], $0x1000  }
0x158: {  	[sflag:s24] =	ssyncset.done $0x0  }
0x159: {  	s0 =	simm.s32 $0x1D730;
	v8 =	vsub.f32 v11, v10;
	[sflag:s24] =	ssyncadd.s32 $0xFFFFF000  }
0x15a: {  	v22 =	vld [tilespmem:s0+$0xFFFFFFE0]  }
0x15b: {  	s29 =	simm.s32 $0x0;
	v9 =	vsub.f32 v12, v5;
	v11 =	vmul.f32 v8, v8;
	v23 =	vld [tilespmem:s0+$0xFFFFFFF0]  }
0x15c: {  	v3 =	vsub.f32 v13, v3;
	v24 =	vld [tilespmem:s0+$0x0];
	s0 =	sand.u32 $0xFC0, s29  }
0x15d: {  	v12 =	vmul.f32 v9, v9;
	v6 =	vadd.f32 v11, v6;
	s29 =	simm.s32 $0x1D770;
	v10 =	vld [tilespmem:s0+$0x1D700]  }
0x15e: {  	v7 =	vsub.f32 v19, v7;
	v13 =	vmul.f32 v3, v3;
	v5 =	vld [tilespmem:s29+$0xFFFFFFE0];
	v11 =	vsub.f32 v18, v14  }
0x15f: {  	v12 =	vadd.f32 v12, v4;
	v8 =	vld [tilespmem:s29+$0xFFFFFFF0]  }
0x160: {  	s30 =	simm.s32 $0x19720;
	v2 =	vadd.f32 v13, v2;
	v63 =	vmul.f32 v7, v7;
	v9 =	vld [tilespmem:s29+$0x0];
	v13 =	vmul.f32 v11, v11  }
0x161: {  	v1 =	vsub.f32 v15, v1;
	v11 =	vld [tilespmem:s30+$0xFFFFFFE0]  }
0x162: {  	v7 =	vadd.f32 v13, v6;
	v6 =	vadd.f32 v63, v12;
	v12 =	vld [tilespmem:s30+$0xFFFFFFF0]  }
0x163: {  	v15 =	vsub.f32 v21, v17;
	v62 =	vmul.f32 v1, v1;
	v14 =	vsub.f32 v20, v16;
	v13 =	vld [tilespmem:s30+$0x0]  }
0x164: {  	v4 =	vld.idx.msk [tilespmem:v22+s3+$0x0], $0xffff  }
0x165: {  	v15 =	vmul.f32 v15, v15;
	v0 =	vadd.f32 v62, v0;
	v14 =	vmul.f32 v14, v14;
	v10 =	vld.idx.msk [tilespmem:v10+s3+$0x0], $0xffff  }
0x166: {  	s0 =	simm.s32 $0x40;
	v3 =	vld.idx.msk [tilespmem:v23+s3+$0x0], $0xffff  }
0x167: {  	s31 =	simm.s32 $0x80;
	v0 =	vadd.f32 v15, v0;
	s0 =	sand.u32 $0xFC0, s0;
	v2 =	vadd.f32 v14, v2;
	v1 =	vld.idx.msk [tilespmem:v24+s3+$0x0], $0xffff  }
.LBB2_16:
0x168: {  	p0 =	sne.s32 s31, $0xFC0;
	v14 =	vld [tilespmem:s0+$0x1D700]  }
0x169: {  	s29 =	sadd.s32 $0x40, s29;
	v15 =	vld [tilespmem:s30+$0x10]  }
0x16a: {  	v16 =	vld [tilespmem:s29+$0xFFFFFFE0];
	v10 =	vsub.f32 v11, v10  }
0x16b: {  	v11 =	vld [tilespmem:s29+$0xFFFFFFF0];
	v12 =	vsub.f32 v12, v4  }
0x16c: {  	v17 =	vld [tilespmem:s29+$0x0];
	v10 =	vmul.f32 v10, v10;
	v13 =	vsub.f32 v13, v3  }
0x16d: {  	v4 =	vld.idx.msk [tilespmem:v5+s3+$0x0], $0xffff;
	v18 =	vmul.f32 v12, v12  }
0x16e: {  	v3 =	vld.idx.msk [tilespmem:v8+s3+$0x0], $0xffff;
	v7 =	vadd.f32 v10, v7;
	v19 =	vmul.f32 v13, v13;
	v12 =	vsub.f32 v15, v1  }
.Ltmp7:
0x16f: {  	v1 =	vld.idx.msk [tilespmem:v9+s3+$0x0], $0xffff;
	v6 =	vadd.f32 v18, v6;
	v5 =	vmov v16;
	(pc) =	sbr.rel @p0 .LBB2_16-.Ltmp7, $4  }
0x170: {  	s30 =	sadd.s32 $0x40, s30;
	v10 =	vld.idx.msk [tilespmem:v14+s3+$0x0], $0xffff;
	v2 =	vadd.f32 v19, v2;
	v13 =	vmul.f32 v12, v12;
	v8 =	vmov v11  }
0x171: {  	v11 =	vld [tilespmem:s30+$0xFFFFFFE0];
	v9 =	vmov v17  }
0x172: {  	v12 =	vld [tilespmem:s30+$0xFFFFFFF0];
	v0 =	vadd.f32 v13, v0  }
0x173: {  	s0 =	sand.u32 $0xFC0, s31;
	s31 =	sadd.s32 $0x40, s31;
	v13 =	vld [tilespmem:s30+$0x0]  }
0x174: {  	_ =	sdelay $0x1  }
0x175: {  	v14 =	vld [tilespmem:s0+$0x1D700]  }
0x176: {  	v15 =	vld [tilespmem:s30+$0x10]  }
0x177: {  	v5 =	vld.idx.msk [tilespmem:v5+s3+$0x0], $0xffff  }
0x178: {  	v8 =	vld.idx.msk [tilespmem:v8+s3+$0x0], $0xffff  }
0x179: {  	v9 =	vld.idx.msk [tilespmem:v9+s3+$0x0], $0xffff;
	s31 =	sadd.s32 $0x40, s30  }
0x17a: {  	v16 =	vld [tilespmem:s31+$0xFFFFFFE0]  }
0x17b: {  	v57 =	vld [tilespmem:s31+$0xFFFFFFF0]  }
0x17c: {  	v58 =	vld [tilespmem:s31+$0x0]  }
0x17d: {  	v17 =	vld [tilespmem:s31+$0x10];
	v10 =	vsub.f32 v11, v10  }
0x17e: {  	v14 =	vld.idx.msk [tilespmem:v14+s3+$0x0], $0xffff  }
0x17f: {  	v4 =	vsub.f32 v12, v4;
	v10 =	vmul.f32 v10, v10  }
0x180: {  	v3 =	vsub.f32 v13, v3;
	v1 =	vsub.f32 v15, v1  }
0x181: {  	v4 =	vmul.f32 v4, v4;
	v7 =	vadd.f32 v10, v7;
	v5 =	vsub.f32 v57, v5  }
0x182: {  	v3 =	vmul.f32 v3, v3;
	v8 =	vsub.f32 v58, v8;
	v9 =	vsub.f32 v17, v9  }
0x183: {  	v4 =	vadd.f32 v4, v6;
	v1 =	vmul.f32 v1, v1;
	v59 =	vsub.f32 v16, v14  }
0x184: {  	v2 =	vadd.f32 v3, v2;
	v5 =	vmul.f32 v5, v5;
	v61 =	vmul.f32 v8, v8  }
0x185: {  	v62 =	vmul.f32 v9, v9;
	v0 =	vadd.f32 v1, v0;
	v60 =	vmul.f32 v59, v59  }
0x186: {  	v4 =	vadd.f32 v5, v4;
	v1 =	vadd.f32 v61, v2  }
0x187: {  	v0 =	vadd.f32 v62, v0;
	v3 =	vadd.f32 v60, v7;
	_ =	sdelay $0x1  }
0x188: {  	v0 =	vadd.f32 v0, v1;
	v63 =	vadd.f32 v4, v3;
	_ =	sdelay $0x1  }
0x189: {  	v0 =	vadd.f32 v0, v63;
	_ =	sdelay $0x1  }
0x18a: {  	s28 =	sadd.s32 $0x1, s28;
	v0 =	vmul.f32 $6.103515630e-05, v0  }
0x18b: {  	p0 =	sne.s32 s28, s15  }
.Ltmp8:
0x18c: {  	[tilespmem:$0x1E700] =	vst v0;
	(pc) =	sbr.rel @p0 .LBB2_1-.Ltmp8, $4  }
0x18d: {  	[hbm4b:s14+s3] =	stream.linear.scatter [tilespmem:s25], [sflag:$0x5], $0x80, $0x38;
	[tilespmem:$0x1E780] =	vst v63  }
0x18e: {  	_ =	swait.ge [sflag:s26], $0x80  }
0x18f: {  	[sflag:s26] =	ssyncset.done $0x0  }
0x190: {  	[sflag:s26] =	ssyncadd.s32 $0xFFFFFF80  }
0x191: {  	_ =	sfence.sel $0x180000  }
0x192: {  	[bflag:$0x0] =	sbarrier.arrive $0xFFFF  }
0x193: {  	_ =	strace $0x90000047  }
0x194: {  	[bflag:$0x2] =	sbarrier.arrive $0xFFFF  }
0x195: {  	p0 =	sne.s32 s2, $0x0;
	s0 =	rddreg [dreg:$0x4]  }
0x196: {  	s0 =	sadd.s32 @!p0 $0x100000, s0  }
0x197: {  	[sflag:s0] =	ssyncadd.tile.s32 @!p0 $0x1;
	_ =	shalt  }
.Lfunc_end2:
_tile_overlayer_lowered:
.L_overlay_start_2:
0x198: {  	(tag) =	ssettag $0x2  }
0x199: {  	s0 =	rddreg [dreg:$0x0];
	s2 =	stileid.u32  }
0x19a: {  	s1 =	rddreg [dreg:$0x1];
	p0 =	sne.s32 s2, $0x0  }
0x19b: {  	s3 =	rddreg [dreg:$0x2];
	[bflag:$0x3] =	sbarrier.arrive $0xFFFF;
	s2 =	simm.s32 @!p0 $0x1C05  }
0x19c: {  	[timem:s3], [sflag:s2] =	dma.local @!p0 [hbm:s0], s1  }
0x19d: {  	s0 =	simm.s32 @!p0 $0x5  }
0x19e: {  	_ =	swait.ge @!p0 [sflag:s0], s1  }
0x19f: {  	s1 =	ssub.s32 @!p0 $0x0, s1;
	[sflag:s0] =	ssyncset.done @!p0 $0x0  }
0x1a0: {  	[sflag:s0] =	ssyncadd.s32 @!p0 s1  }
0x1a1: {  	[bflag:$0x3] =	sbarrier.arrive $0xFFFF  }
0x1a2: {  	_ =	shalt  }

</sc_bundles>
